<compile_context>
chip_gen: v7x
topology: tpu7x:2x2x1
jax: 0.10.2.dev20260603
libtpu: 0.0.44.dev20260713+nightly
codegen_flags: <defaults>
</compile_context>

<pallas_src>
import functools

import jax
import jax.numpy as jnp
from jax import lax
from jax.experimental import pallas as pl
from jax.experimental.pallas import tpu as pltpu
from jax.experimental.pallas import tpu_sc as plsc

_L = 16


@functools.partial(jax.jit, static_argnums=(0, 1, 2))
def _pos_embed_sc(B, H, W, row_embed, col_embed):
    F = row_embed.shape[1]
    C = 2 * F
    info = plsc.get_sparse_core_info()
    NS = info.num_subcores
    HPW = H // NS
    assert H % NS == 0

    mesh = plsc.VectorSubcoreMesh(
        core_axis_name="c", subcore_axis_name="s", num_cores=1)

    @functools.partial(
        pl.kernel,
        mesh=mesh,
        compiler_params=pltpu.CompilerParams(
            use_tc_tiling_on_sc=True, needs_layout_passes=False),
        out_type=jax.ShapeDtypeStruct((B, H, W, C), jnp.float32),
        scratch_types=[
            pltpu.VMEM((W, F), jnp.float32),
            pltpu.VMEM((HPW, W, F), jnp.float32),
            pltpu.VMEM((HPW, F), jnp.float32),
            pltpu.SemaphoreType.DMA,
            pltpu.SemaphoreType.DMA,
        ],
    )
    def k(row_hbm, col_hbm, out_hbm, colp_v, rowp_v, rowbuf_v, sstage, sout):
        sid = lax.axis_index("s")
        h0 = sid * HPW
        cstage = pltpu.async_copy(col_hbm.at[pl.ds(0, W)], colp_v, sstage)
        pltpu.sync_copy(row_hbm.at[pl.ds(h0, HPW)], rowbuf_v)
        vs = [[rowbuf_v[r, pl.ds(j * _L, _L)] for j in range(F // _L)]
              for r in range(HPW)]
        def repl(w, carry):
            for r in range(HPW):
                for j in range(F // _L):
                    rowp_v[r, w, pl.ds(j * _L, _L)] = vs[r][j]
            return carry
        lax.fori_loop(0, W, repl, 0)
        handles = [
            pltpu.async_copy(
                rowp_v.at[r], out_hbm.at[b, h0 + r, :, pl.ds(F, F)], sout)
            for r in range(HPW) for b in range(B)
        ]
        cstage.wait()
        for r in range(HPW):
            for b in range(B):
                handles.append(pltpu.async_copy(
                    colp_v, out_hbm.at[b, h0 + r, :, pl.ds(0, F)], sout))
        for hd in handles:
            hd.wait()

    return k(row_embed, col_embed)


def kernel(x, row_embed, col_embed):
    B = x.shape[0]
    H, W = x.shape[-2], x.shape[-1]
    out_nhwc = _pos_embed_sc(B, H, W, row_embed, col_embed)
    return jnp.transpose(out_nhwc, (0, 3, 1, 2))

# --- scband reference (transcript-rebuilt; emitter-appended) ---
"""Pipeline reference for scband-positonembedding-learned-4638564680129 (READ-ONLY COPY).

The authoritative reference and input builder live on the scoring server;
editing this copy changes nothing except your own understanding.
"""

import jax, jax.numpy as jnp
import numpy as np


def setup_inputs(seed: int = 0) -> dict:
    key = jax.random.key(seed)
    k1, k2, k3 = jax.random.split(key, 3)
    x = jax.random.normal(k1, (4, 768, 32, 32), dtype=jnp.float32)
    # nn.init.uniform_ on embedding weights -> U[0,1)
    row_embed = jax.random.uniform(k2, (50, 256), dtype=jnp.float32)
    col_embed = jax.random.uniform(k3, (50, 256), dtype=jnp.float32)
    return {"x": x, "row_embed": row_embed, "col_embed": col_embed}


def reference(x, row_embed, col_embed):
    height, width = x.shape[-2], x.shape[-1]
    temp_row = jnp.arange(width)
    temp_col = jnp.arange(height)
    # embedding lookups (gather)
    x_embed = jnp.take(col_embed, temp_row, axis=0)  # [W, num_pos_feats]
    y_embed = jnp.take(row_embed, temp_col, axis=0)  # [H, num_pos_feats]
    # repeat x_embed over rows, y_embed over cols
    xe = jnp.broadcast_to(x_embed[None, :, :], (height, width, x_embed.shape[-1]))
    ye = jnp.broadcast_to(y_embed[:, None, :], (height, width, y_embed.shape[-1]))
    pos = jnp.concatenate([xe, ye], axis=-1)          # [H, W, 2*num_pos_feats]
    pos = jnp.transpose(pos, (2, 0, 1))[None, :, :, :]  # [1, 2*npf, H, W]
    pos = jnp.broadcast_to(pos, (x.shape[0],) + pos.shape[1:])  # [B, 2*npf, H, W]
    return pos

if __name__ == "__main__":
    import jax
    _d = setup_inputs()
    print(jax.jit(kernel)(*tuple(_d.values())))

</pallas_src>

<mosaic_0001>
#map = affine_map<(d0, d1) -> (0, 0)>
#map1 = affine_map<(d0, d1) -> (0, 0, 0, 0)>
module attributes {stable_mosaic.version = 14 : i64} {
  func.func @k(%arg0: i32, %arg1: i32, %arg2: memref<50x256xf32, #tpu.memory_space<hbm>>, %arg3: memref<50x256xf32, #tpu.memory_space<hbm>>, %arg4: memref<4x32x32x512xf32, #tpu.memory_space<hbm>>, %arg5: memref<32x256xf32, #tpu.memory_space<vmem>>, %arg6: memref<2x32x256xf32, #tpu.memory_space<vmem>>, %arg7: memref<2x256xf32, #tpu.memory_space<vmem>>, %arg8: memref<!tpu.dma_semaphore, #tpu.memory_space<semaphore_mem>>, %arg9: memref<!tpu.dma_semaphore, #tpu.memory_space<semaphore_mem>>) attributes {dimension_semantics = [#tpu.dimension_semantics<core_parallel>, #tpu.dimension_semantics<subcore_parallel>], iteration_bounds = array<i64: 1, 16>, scalar_prefetch = 0 : i64, scratch_operands = 5 : i64, tpu.core_type = #tpu.core_type<sc_vector_subcore>, window_params = [{transform_indices = #map}, {transform_indices = #map}, {transform_indices = #map1}]} {
    %mul3A = arith.constant 2 : i32
    %mul3A_0 = arith.muli %arg1, %mul3A : i32
    %dma_start3A = arith.constant 0 : i32
    %dma_start3A_1 = arith.constant 0 : i32
    %dma_start3A_2 = tpu.memref_slice %arg3[%dma_start3A, %dma_start3A_1] : memref<50x256xf32, #tpu.memory_space<hbm>> -> memref<32x256xf32, #tpu.memory_space<hbm>>
    %dma_start3A_3 = arith.constant 0 : i32
    %dma_start3A_4 = arith.constant 0 : i32
    %dma_start3A_5 = tpu.memref_slice %arg3[%dma_start3A_3, %dma_start3A_4] : memref<50x256xf32, #tpu.memory_space<hbm>> -> memref<32x256xf32, #tpu.memory_space<hbm>>
    tpu.enqueue_dma source(%dma_start3A_5 : memref<32x256xf32, #tpu.memory_space<hbm>>) target(%arg5 : memref<32x256xf32, #tpu.memory_space<vmem>>) target_semaphore(%arg8 : memref<!tpu.dma_semaphore, #tpu.memory_space<semaphore_mem>>)
    "tpu.region"() ({
      %run_scoped3A = tpu.sem_alloc : memref<!tpu.dma_semaphore, #tpu.memory_space<semaphore_mem>>
      %dma_start3A_606 = arith.constant 0 : i32
      %dma_start3A_607 = tpu.memref_slice %arg2[%mul3A_0, %dma_start3A_606] : memref<50x256xf32, #tpu.memory_space<hbm>> -> memref<2x256xf32, #tpu.memory_space<hbm>>
      %dma_start3A_608 = arith.constant 0 : i32
      %dma_start3A_609 = tpu.memref_slice %arg2[%mul3A_0, %dma_start3A_608] : memref<50x256xf32, #tpu.memory_space<hbm>> -> memref<2x256xf32, #tpu.memory_space<hbm>>
      tpu.enqueue_dma source(%dma_start3A_609 : memref<2x256xf32, #tpu.memory_space<hbm>>) target(%arg7 : memref<2x256xf32, #tpu.memory_space<vmem>>) target_semaphore(%run_scoped3A : memref<!tpu.dma_semaphore, #tpu.memory_space<semaphore_mem>>)
      %dma_wait3A_610 = arith.constant 0 : i32
      %dma_wait3A_611 = tpu.memref_slice %arg2[%mul3A_0, %dma_wait3A_610] : memref<50x256xf32, #tpu.memory_space<hbm>> -> memref<2x256xf32, #tpu.memory_space<hbm>>
      %dma_wait3A_612 = arith.constant 0 : i32
      %dma_wait3A_613 = tpu.memref_slice %arg2[%mul3A_0, %dma_wait3A_612] : memref<50x256xf32, #tpu.memory_space<hbm>> -> memref<2x256xf32, #tpu.memory_space<hbm>>
      tpu.wait_dma2 semaphore(%run_scoped3A : memref<!tpu.dma_semaphore, #tpu.memory_space<semaphore_mem>>) src(%dma_wait3A_613 : memref<2x256xf32, #tpu.memory_space<hbm>>) dst(%arg7 : memref<2x256xf32, #tpu.memory_space<vmem>>)
      tpu.yield
    }) : () -> ()
    %get3A = arith.constant 0 : i32
    %get3A_6 = arith.index_cast %get3A : i32 to index
    %get3A_7 = arith.constant 0 : index
    %get3A_8 = tpu.vector_load %arg7[%get3A_6, %get3A_7] {strides = array<i32>} : memref<2x256xf32, #tpu.memory_space<vmem>>, vector<16xf32>,
    %get3A_9 = arith.constant 0 : i32
    %get3A_10 = arith.index_cast %get3A_9 : i32 to index
    %get3A_11 = arith.constant 16 : index
    %get3A_12 = tpu.vector_load %arg7[%get3A_10, %get3A_11] {strides = array<i32>} : memref<2x256xf32, #tpu.memory_space<vmem>>, vector<16xf32>,
    %get3A_13 = arith.constant 0 : i32
    %get3A_14 = arith.index_cast %get3A_13 : i32 to index
    %get3A_15 = arith.constant 32 : index
    %get3A_16 = tpu.vector_load %arg7[%get3A_14, %get3A_15] {strides = array<i32>} : memref<2x256xf32, #tpu.memory_space<vmem>>, vector<16xf32>,
    %get3A_17 = arith.constant 0 : i32
    %get3A_18 = arith.index_cast %get3A_17 : i32 to index
    %get3A_19 = arith.constant 48 : index
    %get3A_20 = tpu.vector_load %arg7[%get3A_18, %get3A_19] {strides = array<i32>} : memref<2x256xf32, #tpu.memory_space<vmem>>, vector<16xf32>,
    %get3A_21 = arith.constant 0 : i32
    %get3A_22 = arith.index_cast %get3A_21 : i32 to index
    %get3A_23 = arith.constant 64 : index
    %get3A_24 = tpu.vector_load %arg7[%get3A_22, %get3A_23] {strides = array<i32>} : memref<2x256xf32, #tpu.memory_space<vmem>>, vector<16xf32>,
    %get3A_25 = arith.constant 0 : i32
    %get3A_26 = arith.index_cast %get3A_25 : i32 to index
    %get3A_27 = arith.constant 80 : index
    %get3A_28 = tpu.vector_load %arg7[%get3A_26, %get3A_27] {strides = array<i32>} : memref<2x256xf32, #tpu.memory_space<vmem>>, vector<16xf32>,
    %get3A_29 = arith.constant 0 : i32
    %get3A_30 = arith.index_cast %get3A_29 : i32 to index
    %get3A_31 = arith.constant 96 : index
    %get3A_32 = tpu.vector_load %arg7[%get3A_30, %get3A_31] {strides = array<i32>} : memref<2x256xf32, #tpu.memory_space<vmem>>, vector<16xf32>,
    %get3A_33 = arith.constant 0 : i32
    %get3A_34 = arith.index_cast %get3A_33 : i32 to index
    %get3A_35 = arith.constant 112 : index
    %get3A_36 = tpu.vector_load %arg7[%get3A_34, %get3A_35] {strides = array<i32>} : memref<2x256xf32, #tpu.memory_space<vmem>>, vector<16xf32>,
    %get3A_37 = arith.constant 0 : i32
    %get3A_38 = arith.index_cast %get3A_37 : i32 to index
    %get3A_39 = arith.constant 128 : index
    %get3A_40 = tpu.vector_load %arg7[%get3A_38, %get3A_39] {strides = array<i32>} : memref<2x256xf32, #tpu.memory_space<vmem>>, vector<16xf32>,
    %get3A_41 = arith.constant 0 : i32
    %get3A_42 = arith.index_cast %get3A_41 : i32 to index
    %get3A_43 = arith.constant 144 : index
    %get3A_44 = tpu.vector_load %arg7[%get3A_42, %get3A_43] {strides = array<i32>} : memref<2x256xf32, #tpu.memory_space<vmem>>, vector<16xf32>,
    %get3A_45 = arith.constant 0 : i32
    %get3A_46 = arith.index_cast %get3A_45 : i32 to index
    %get3A_47 = arith.constant 160 : index
    %get3A_48 = tpu.vector_load %arg7[%get3A_46, %get3A_47] {strides = array<i32>} : memref<2x256xf32, #tpu.memory_space<vmem>>, vector<16xf32>,
    %get3A_49 = arith.constant 0 : i32
    %get3A_50 = arith.index_cast %get3A_49 : i32 to index
    %get3A_51 = arith.constant 176 : index
    %get3A_52 = tpu.vector_load %arg7[%get3A_50, %get3A_51] {strides = array<i32>} : memref<2x256xf32, #tpu.memory_space<vmem>>, vector<16xf32>,
    %get3A_53 = arith.constant 0 : i32
    %get3A_54 = arith.index_cast %get3A_53 : i32 to index
    %get3A_55 = arith.constant 192 : index
    %get3A_56 = tpu.vector_load %arg7[%get3A_54, %get3A_55] {strides = array<i32>} : memref<2x256xf32, #tpu.memory_space<vmem>>, vector<16xf32>,
    %get3A_57 = arith.constant 0 : i32
    %get3A_58 = arith.index_cast %get3A_57 : i32 to index
    %get3A_59 = arith.constant 208 : index
    %get3A_60 = tpu.vector_load %arg7[%get3A_58, %get3A_59] {strides = array<i32>} : memref<2x256xf32, #tpu.memory_space<vmem>>, vector<16xf32>,
    %get3A_61 = arith.constant 0 : i32
    %get3A_62 = arith.index_cast %get3A_61 : i32 to index
    %get3A_63 = arith.constant 224 : index
    %get3A_64 = tpu.vector_load %arg7[%get3A_62, %get3A_63] {strides = array<i32>} : memref<2x256xf32, #tpu.memory_space<vmem>>, vector<16xf32>,
    %get3A_65 = arith.constant 0 : i32
    %get3A_66 = arith.index_cast %get3A_65 : i32 to index
    %get3A_67 = arith.constant 240 : index
    %get3A_68 = tpu.vector_load %arg7[%get3A_66, %get3A_67] {strides = array<i32>} : memref<2x256xf32, #tpu.memory_space<vmem>>, vector<16xf32>,
    %get3A_69 = arith.constant 1 : i32
    %get3A_70 = arith.index_cast %get3A_69 : i32 to index
    %get3A_71 = arith.constant 0 : index
    %get3A_72 = tpu.vector_load %arg7[%get3A_70, %get3A_71] {strides = array<i32>} : memref<2x256xf32, #tpu.memory_space<vmem>>, vector<16xf32>,
    %get3A_73 = arith.constant 1 : i32
    %get3A_74 = arith.index_cast %get3A_73 : i32 to index
    %get3A_75 = arith.constant 16 : index
    %get3A_76 = tpu.vector_load %arg7[%get3A_74, %get3A_75] {strides = array<i32>} : memref<2x256xf32, #tpu.memory_space<vmem>>, vector<16xf32>,
    %get3A_77 = arith.constant 1 : i32
    %get3A_78 = arith.index_cast %get3A_77 : i32 to index
    %get3A_79 = arith.constant 32 : index
    %get3A_80 = tpu.vector_load %arg7[%get3A_78, %get3A_79] {strides = array<i32>} : memref<2x256xf32, #tpu.memory_space<vmem>>, vector<16xf32>,
    %get3A_81 = arith.constant 1 : i32
    %get3A_82 = arith.index_cast %get3A_81 : i32 to index
    %get3A_83 = arith.constant 48 : index
    %get3A_84 = tpu.vector_load %arg7[%get3A_82, %get3A_83] {strides = array<i32>} : memref<2x256xf32, #tpu.memory_space<vmem>>, vector<16xf32>,
    %get3A_85 = arith.constant 1 : i32
    %get3A_86 = arith.index_cast %get3A_85 : i32 to index
    %get3A_87 = arith.constant 64 : index
    %get3A_88 = tpu.vector_load %arg7[%get3A_86, %get3A_87] {strides = array<i32>} : memref<2x256xf32, #tpu.memory_space<vmem>>, vector<16xf32>,
    %get3A_89 = arith.constant 1 : i32
    %get3A_90 = arith.index_cast %get3A_89 : i32 to index
    %get3A_91 = arith.constant 80 : index
    %get3A_92 = tpu.vector_load %arg7[%get3A_90, %get3A_91] {strides = array<i32>} : memref<2x256xf32, #tpu.memory_space<vmem>>, vector<16xf32>,
    %get3A_93 = arith.constant 1 : i32
    %get3A_94 = arith.index_cast %get3A_93 : i32 to index
    %get3A_95 = arith.constant 96 : index
    %get3A_96 = tpu.vector_load %arg7[%get3A_94, %get3A_95] {strides = array<i32>} : memref<2x256xf32, #tpu.memory_space<vmem>>, vector<16xf32>,
    %get3A_97 = arith.constant 1 : i32
    %get3A_98 = arith.index_cast %get3A_97 : i32 to index
    %get3A_99 = arith.constant 112 : index
    %get3A_100 = tpu.vector_load %arg7[%get3A_98, %get3A_99] {strides = array<i32>} : memref<2x256xf32, #tpu.memory_space<vmem>>, vector<16xf32>,
    %get3A_101 = arith.constant 1 : i32
    %get3A_102 = arith.index_cast %get3A_101 : i32 to index
    %get3A_103 = arith.constant 128 : index
    %get3A_104 = tpu.vector_load %arg7[%get3A_102, %get3A_103] {strides = array<i32>} : memref<2x256xf32, #tpu.memory_space<vmem>>, vector<16xf32>,
    %get3A_105 = arith.constant 1 : i32
    %get3A_106 = arith.index_cast %get3A_105 : i32 to index
    %get3A_107 = arith.constant 144 : index
    %get3A_108 = tpu.vector_load %arg7[%get3A_106, %get3A_107] {strides = array<i32>} : memref<2x256xf32, #tpu.memory_space<vmem>>, vector<16xf32>,
    %get3A_109 = arith.constant 1 : i32
    %get3A_110 = arith.index_cast %get3A_109 : i32 to index
    %get3A_111 = arith.constant 160 : index
    %get3A_112 = tpu.vector_load %arg7[%get3A_110, %get3A_111] {strides = array<i32>} : memref<2x256xf32, #tpu.memory_space<vmem>>, vector<16xf32>,
    %get3A_113 = arith.constant 1 : i32
    %get3A_114 = arith.index_cast %get3A_113 : i32 to index
    %get3A_115 = arith.constant 176 : index
    %get3A_116 = tpu.vector_load %arg7[%get3A_114, %get3A_115] {strides = array<i32>} : memref<2x256xf32, #tpu.memory_space<vmem>>, vector<16xf32>,
    %get3A_117 = arith.constant 1 : i32
    %get3A_118 = arith.index_cast %get3A_117 : i32 to index
    %get3A_119 = arith.constant 192 : index
    %get3A_120 = tpu.vector_load %arg7[%get3A_118, %get3A_119] {strides = array<i32>} : memref<2x256xf32, #tpu.memory_space<vmem>>, vector<16xf32>,
    %get3A_121 = arith.constant 1 : i32
    %get3A_122 = arith.index_cast %get3A_121 : i32 to index
    %get3A_123 = arith.constant 208 : index
    %get3A_124 = tpu.vector_load %arg7[%get3A_122, %get3A_123] {strides = array<i32>} : memref<2x256xf32, #tpu.memory_space<vmem>>, vector<16xf32>,
    %get3A_125 = arith.constant 1 : i32
    %get3A_126 = arith.index_cast %get3A_125 : i32 to index
    %get3A_127 = arith.constant 224 : index
    %get3A_128 = tpu.vector_load %arg7[%get3A_126, %get3A_127] {strides = array<i32>} : memref<2x256xf32, #tpu.memory_space<vmem>>, vector<16xf32>,
    %get3A_129 = arith.constant 1 : i32
    %get3A_130 = arith.index_cast %get3A_129 : i32 to index
    %get3A_131 = arith.constant 240 : index
    %get3A_132 = tpu.vector_load %arg7[%get3A_130, %get3A_131] {strides = array<i32>} : memref<2x256xf32, #tpu.memory_space<vmem>>, vector<16xf32>,
    %scan3A = arith.constant 0 : i32
    %scan3A_133 = arith.constant 0 : i32
    %scan3A_134 = arith.constant 32 : i32
    %scan3A_135 = arith.addi %scan3A_133, %scan3A_134 : i32
    %scan3A_136 = arith.constant 1 : i32
    scf.for %scan3A_606 = %scan3A_133 to %scan3A_135 step %scan3A_136  : i32 {
      %swap3A = arith.constant 0 : i32
      %swap3A_607 = arith.index_cast %swap3A : i32 to index
      %swap3A_608 = arith.index_cast %scan3A_606 : i32 to index
      %swap3A_609 = arith.constant 0 : index
      %swap3A_610 = tpu.vector_load %arg6[%swap3A_607, %swap3A_608, %swap3A_609] {strides = array<i32>} : memref<2x32x256xf32, #tpu.memory_space<vmem>>, vector<16xf32>,
      tpu.vector_store %arg6[%swap3A_607, %swap3A_608, %swap3A_609], %get3A_8 {strides = array<i32>} : memref<2x32x256xf32, #tpu.memory_space<vmem>>, vector<16xf32>,
      %swap3A_611 = arith.constant 0 : i32
      %swap3A_612 = arith.index_cast %swap3A_611 : i32 to index
      %swap3A_613 = arith.index_cast %scan3A_606 : i32 to index
      %swap3A_614 = arith.constant 16 : index
      %swap3A_615 = tpu.vector_load %arg6[%swap3A_612, %swap3A_613, %swap3A_614] {strides = array<i32>} : memref<2x32x256xf32, #tpu.memory_space<vmem>>, vector<16xf32>,
      tpu.vector_store %arg6[%swap3A_612, %swap3A_613, %swap3A_614], %get3A_12 {strides = array<i32>} : memref<2x32x256xf32, #tpu.memory_space<vmem>>, vector<16xf32>,
      %swap3A_616 = arith.constant 0 : i32
      %swap3A_617 = arith.index_cast %swap3A_616 : i32 to index
      %swap3A_618 = arith.index_cast %scan3A_606 : i32 to index
      %swap3A_619 = arith.constant 32 : index
      %swap3A_620 = tpu.vector_load %arg6[%swap3A_617, %swap3A_618, %swap3A_619] {strides = array<i32>} : memref<2x32x256xf32, #tpu.memory_space<vmem>>, vector<16xf32>,
      tpu.vector_store %arg6[%swap3A_617, %swap3A_618, %swap3A_619], %get3A_16 {strides = array<i32>} : memref<2x32x256xf32, #tpu.memory_space<vmem>>, vector<16xf32>,
      %swap3A_621 = arith.constant 0 : i32
      %swap3A_622 = arith.index_cast %swap3A_621 : i32 to index
      %swap3A_623 = arith.index_cast %scan3A_606 : i32 to index
      %swap3A_624 = arith.constant 48 : index
      %swap3A_625 = tpu.vector_load %arg6[%swap3A_622, %swap3A_623, %swap3A_624] {strides = array<i32>} : memref<2x32x256xf32, #tpu.memory_space<vmem>>, vector<16xf32>,
      tpu.vector_store %arg6[%swap3A_622, %swap3A_623, %swap3A_624], %get3A_20 {strides = array<i32>} : memref<2x32x256xf32, #tpu.memory_space<vmem>>, vector<16xf32>,
      %swap3A_626 = arith.constant 0 : i32
      %swap3A_627 = arith.index_cast %swap3A_626 : i32 to index
      %swap3A_628 = arith.index_cast %scan3A_606 : i32 to index
      %swap3A_629 = arith.constant 64 : index
      %swap3A_630 = tpu.vector_load %arg6[%swap3A_627, %swap3A_628, %swap3A_629] {strides = array<i32>} : memref<2x32x256xf32, #tpu.memory_space<vmem>>, vector<16xf32>,
      tpu.vector_store %arg6[%swap3A_627, %swap3A_628, %swap3A_629], %get3A_24 {strides = array<i32>} : memref<2x32x256xf32, #tpu.memory_space<vmem>>, vector<16xf32>,
      %swap3A_631 = arith.constant 0 : i32
      %swap3A_632 = arith.index_cast %swap3A_631 : i32 to index
      %swap3A_633 = arith.index_cast %scan3A_606 : i32 to index
      %swap3A_634 = arith.constant 80 : index
      %swap3A_635 = tpu.vector_load %arg6[%swap3A_632, %swap3A_633, %swap3A_634] {strides = array<i32>} : memref<2x32x256xf32, #tpu.memory_space<vmem>>, vector<16xf32>,
      tpu.vector_store %arg6[%swap3A_632, %swap3A_633, %swap3A_634], %get3A_28 {strides = array<i32>} : memref<2x32x256xf32, #tpu.memory_space<vmem>>, vector<16xf32>,
      %swap3A_636 = arith.constant 0 : i32
      %swap3A_637 = arith.index_cast %swap3A_636 : i32 to index
      %swap3A_638 = arith.index_cast %scan3A_606 : i32 to index
      %swap3A_639 = arith.constant 96 : index
      %swap3A_640 = tpu.vector_load %arg6[%swap3A_637, %swap3A_638, %swap3A_639] {strides = array<i32>} : memref<2x32x256xf32, #tpu.memory_space<vmem>>, vector<16xf32>,
      tpu.vector_store %arg6[%swap3A_637, %swap3A_638, %swap3A_639], %get3A_32 {strides = array<i32>} : memref<2x32x256xf32, #tpu.memory_space<vmem>>, vector<16xf32>,
      %swap3A_641 = arith.constant 0 : i32
      %swap3A_642 = arith.index_cast %swap3A_641 : i32 to index
      %swap3A_643 = arith.index_cast %scan3A_606 : i32 to index
      %swap3A_644 = arith.constant 112 : index
      %swap3A_645 = tpu.vector_load %arg6[%swap3A_642, %swap3A_643, %swap3A_644] {strides = array<i32>} : memref<2x32x256xf32, #tpu.memory_space<vmem>>, vector<16xf32>,
      tpu.vector_store %arg6[%swap3A_642, %swap3A_643, %swap3A_644], %get3A_36 {strides = array<i32>} : memref<2x32x256xf32, #tpu.memory_space<vmem>>, vector<16xf32>,
      %swap3A_646 = arith.constant 0 : i32
      %swap3A_647 = arith.index_cast %swap3A_646 : i32 to index
      %swap3A_648 = arith.index_cast %scan3A_606 : i32 to index
      %swap3A_649 = arith.constant 128 : index
      %swap3A_650 = tpu.vector_load %arg6[%swap3A_647, %swap3A_648, %swap3A_649] {strides = array<i32>} : memref<2x32x256xf32, #tpu.memory_space<vmem>>, vector<16xf32>,
      tpu.vector_store %arg6[%swap3A_647, %swap3A_648, %swap3A_649], %get3A_40 {strides = array<i32>} : memref<2x32x256xf32, #tpu.memory_space<vmem>>, vector<16xf32>,
      %swap3A_651 = arith.constant 0 : i32
      %swap3A_652 = arith.index_cast %swap3A_651 : i32 to index
      %swap3A_653 = arith.index_cast %scan3A_606 : i32 to index
      %swap3A_654 = arith.constant 144 : index
      %swap3A_655 = tpu.vector_load %arg6[%swap3A_652, %swap3A_653, %swap3A_654] {strides = array<i32>} : memref<2x32x256xf32, #tpu.memory_space<vmem>>, vector<16xf32>,
      tpu.vector_store %arg6[%swap3A_652, %swap3A_653, %swap3A_654], %get3A_44 {strides = array<i32>} : memref<2x32x256xf32, #tpu.memory_space<vmem>>, vector<16xf32>,
      %swap3A_656 = arith.constant 0 : i32
      %swap3A_657 = arith.index_cast %swap3A_656 : i32 to index
      %swap3A_658 = arith.index_cast %scan3A_606 : i32 to index
      %swap3A_659 = arith.constant 160 : index
      %swap3A_660 = tpu.vector_load %arg6[%swap3A_657, %swap3A_658, %swap3A_659] {strides = array<i32>} : memref<2x32x256xf32, #tpu.memory_space<vmem>>, vector<16xf32>,
      tpu.vector_store %arg6[%swap3A_657, %swap3A_658, %swap3A_659], %get3A_48 {strides = array<i32>} : memref<2x32x256xf32, #tpu.memory_space<vmem>>, vector<16xf32>,
      %swap3A_661 = arith.constant 0 : i32
      %swap3A_662 = arith.index_cast %swap3A_661 : i32 to index
      %swap3A_663 = arith.index_cast %scan3A_606 : i32 to index
      %swap3A_664 = arith.constant 176 : index
      %swap3A_665 = tpu.vector_load %arg6[%swap3A_662, %swap3A_663, %swap3A_664] {strides = array<i32>} : memref<2x32x256xf32, #tpu.memory_space<vmem>>, vector<16xf32>,
      tpu.vector_store %arg6[%swap3A_662, %swap3A_663, %swap3A_664], %get3A_52 {strides = array<i32>} : memref<2x32x256xf32, #tpu.memory_space<vmem>>, vector<16xf32>,
      %swap3A_666 = arith.constant 0 : i32
      %swap3A_667 = arith.index_cast %swap3A_666 : i32 to index
      %swap3A_668 = arith.index_cast %scan3A_606 : i32 to index
      %swap3A_669 = arith.constant 192 : index
      %swap3A_670 = tpu.vector_load %arg6[%swap3A_667, %swap3A_668, %swap3A_669] {strides = array<i32>} : memref<2x32x256xf32, #tpu.memory_space<vmem>>, vector<16xf32>,
      tpu.vector_store %arg6[%swap3A_667, %swap3A_668, %swap3A_669], %get3A_56 {strides = array<i32>} : memref<2x32x256xf32, #tpu.memory_space<vmem>>, vector<16xf32>,
      %swap3A_671 = arith.constant 0 : i32
      %swap3A_672 = arith.index_cast %swap3A_671 : i32 to index
      %swap3A_673 = arith.index_cast %scan3A_606 : i32 to index
      %swap3A_674 = arith.constant 208 : index
      %swap3A_675 = tpu.vector_load %arg6[%swap3A_672, %swap3A_673, %swap3A_674] {strides = array<i32>} : memref<2x32x256xf32, #tpu.memory_space<vmem>>, vector<16xf32>,
      tpu.vector_store %arg6[%swap3A_672, %swap3A_673, %swap3A_674], %get3A_60 {strides = array<i32>} : memref<2x32x256xf32, #tpu.memory_space<vmem>>, vector<16xf32>,
      %swap3A_676 = arith.constant 0 : i32
      %swap3A_677 = arith.index_cast %swap3A_676 : i32 to index
      %swap3A_678 = arith.index_cast %scan3A_606 : i32 to index
      %swap3A_679 = arith.constant 224 : index
      %swap3A_680 = tpu.vector_load %arg6[%swap3A_677, %swap3A_678, %swap3A_679] {strides = array<i32>} : memref<2x32x256xf32, #tpu.memory_space<vmem>>, vector<16xf32>,
      tpu.vector_store %arg6[%swap3A_677, %swap3A_678, %swap3A_679], %get3A_64 {strides = array<i32>} : memref<2x32x256xf32, #tpu.memory_space<vmem>>, vector<16xf32>,
      %swap3A_681 = arith.constant 0 : i32
      %swap3A_682 = arith.index_cast %swap3A_681 : i32 to index
      %swap3A_683 = arith.index_cast %scan3A_606 : i32 to index
      %swap3A_684 = arith.constant 240 : index
      %swap3A_685 = tpu.vector_load %arg6[%swap3A_682, %swap3A_683, %swap3A_684] {strides = array<i32>} : memref<2x32x256xf32, #tpu.memory_space<vmem>>, vector<16xf32>,
      tpu.vector_store %arg6[%swap3A_682, %swap3A_683, %swap3A_684], %get3A_68 {strides = array<i32>} : memref<2x32x256xf32, #tpu.memory_space<vmem>>, vector<16xf32>,
      %swap3A_686 = arith.constant 1 : i32
      %swap3A_687 = arith.index_cast %swap3A_686 : i32 to index
      %swap3A_688 = arith.index_cast %scan3A_606 : i32 to index
      %swap3A_689 = arith.constant 0 : index
      %swap3A_690 = tpu.vector_load %arg6[%swap3A_687, %swap3A_688, %swap3A_689] {strides = array<i32>} : memref<2x32x256xf32, #tpu.memory_space<vmem>>, vector<16xf32>,
      tpu.vector_store %arg6[%swap3A_687, %swap3A_688, %swap3A_689], %get3A_72 {strides = array<i32>} : memref<2x32x256xf32, #tpu.memory_space<vmem>>, vector<16xf32>,
      %swap3A_691 = arith.constant 1 : i32
      %swap3A_692 = arith.index_cast %swap3A_691 : i32 to index
      %swap3A_693 = arith.index_cast %scan3A_606 : i32 to index
      %swap3A_694 = arith.constant 16 : index
      %swap3A_695 = tpu.vector_load %arg6[%swap3A_692, %swap3A_693, %swap3A_694] {strides = array<i32>} : memref<2x32x256xf32, #tpu.memory_space<vmem>>, vector<16xf32>,
      tpu.vector_store %arg6[%swap3A_692, %swap3A_693, %swap3A_694], %get3A_76 {strides = array<i32>} : memref<2x32x256xf32, #tpu.memory_space<vmem>>, vector<16xf32>,
      %swap3A_696 = arith.constant 1 : i32
      %swap3A_697 = arith.index_cast %swap3A_696 : i32 to index
      %swap3A_698 = arith.index_cast %scan3A_606 : i32 to index
      %swap3A_699 = arith.constant 32 : index
      %swap3A_700 = tpu.vector_load %arg6[%swap3A_697, %swap3A_698, %swap3A_699] {strides = array<i32>} : memref<2x32x256xf32, #tpu.memory_space<vmem>>, vector<16xf32>,
      tpu.vector_store %arg6[%swap3A_697, %swap3A_698, %swap3A_699], %get3A_80 {strides = array<i32>} : memref<2x32x256xf32, #tpu.memory_space<vmem>>, vector<16xf32>,
      %swap3A_701 = arith.constant 1 : i32
      %swap3A_702 = arith.index_cast %swap3A_701 : i32 to index
      %swap3A_703 = arith.index_cast %scan3A_606 : i32 to index
      %swap3A_704 = arith.constant 48 : index
      %swap3A_705 = tpu.vector_load %arg6[%swap3A_702, %swap3A_703, %swap3A_704] {strides = array<i32>} : memref<2x32x256xf32, #tpu.memory_space<vmem>>, vector<16xf32>,
      tpu.vector_store %arg6[%swap3A_702, %swap3A_703, %swap3A_704], %get3A_84 {strides = array<i32>} : memref<2x32x256xf32, #tpu.memory_space<vmem>>, vector<16xf32>,
      %swap3A_706 = arith.constant 1 : i32
      %swap3A_707 = arith.index_cast %swap3A_706 : i32 to index
      %swap3A_708 = arith.index_cast %scan3A_606 : i32 to index
      %swap3A_709 = arith.constant 64 : index
      %swap3A_710 = tpu.vector_load %arg6[%swap3A_707, %swap3A_708, %swap3A_709] {strides = array<i32>} : memref<2x32x256xf32, #tpu.memory_space<vmem>>, vector<16xf32>,
      tpu.vector_store %arg6[%swap3A_707, %swap3A_708, %swap3A_709], %get3A_88 {strides = array<i32>} : memref<2x32x256xf32, #tpu.memory_space<vmem>>, vector<16xf32>,
      %swap3A_711 = arith.constant 1 : i32
      %swap3A_712 = arith.index_cast %swap3A_711 : i32 to index
      %swap3A_713 = arith.index_cast %scan3A_606 : i32 to index
      %swap3A_714 = arith.constant 80 : index
      %swap3A_715 = tpu.vector_load %arg6[%swap3A_712, %swap3A_713, %swap3A_714] {strides = array<i32>} : memref<2x32x256xf32, #tpu.memory_space<vmem>>, vector<16xf32>,
      tpu.vector_store %arg6[%swap3A_712, %swap3A_713, %swap3A_714], %get3A_92 {strides = array<i32>} : memref<2x32x256xf32, #tpu.memory_space<vmem>>, vector<16xf32>,
      %swap3A_716 = arith.constant 1 : i32
      %swap3A_717 = arith.index_cast %swap3A_716 : i32 to index
      %swap3A_718 = arith.index_cast %scan3A_606 : i32 to index
      %swap3A_719 = arith.constant 96 : index
      %swap3A_720 = tpu.vector_load %arg6[%swap3A_717, %swap3A_718, %swap3A_719] {strides = array<i32>} : memref<2x32x256xf32, #tpu.memory_space<vmem>>, vector<16xf32>,
      tpu.vector_store %arg6[%swap3A_717, %swap3A_718, %swap3A_719], %get3A_96 {strides = array<i32>} : memref<2x32x256xf32, #tpu.memory_space<vmem>>, vector<16xf32>,
      %swap3A_721 = arith.constant 1 : i32
      %swap3A_722 = arith.index_cast %swap3A_721 : i32 to index
      %swap3A_723 = arith.index_cast %scan3A_606 : i32 to index
      %swap3A_724 = arith.constant 112 : index
      %swap3A_725 = tpu.vector_load %arg6[%swap3A_722, %swap3A_723, %swap3A_724] {strides = array<i32>} : memref<2x32x256xf32, #tpu.memory_space<vmem>>, vector<16xf32>,
      tpu.vector_store %arg6[%swap3A_722, %swap3A_723, %swap3A_724], %get3A_100 {strides = array<i32>} : memref<2x32x256xf32, #tpu.memory_space<vmem>>, vector<16xf32>,
      %swap3A_726 = arith.constant 1 : i32
      %swap3A_727 = arith.index_cast %swap3A_726 : i32 to index
      %swap3A_728 = arith.index_cast %scan3A_606 : i32 to index
      %swap3A_729 = arith.constant 128 : index
      %swap3A_730 = tpu.vector_load %arg6[%swap3A_727, %swap3A_728, %swap3A_729] {strides = array<i32>} : memref<2x32x256xf32, #tpu.memory_space<vmem>>, vector<16xf32>,
      tpu.vector_store %arg6[%swap3A_727, %swap3A_728, %swap3A_729], %get3A_104 {strides = array<i32>} : memref<2x32x256xf32, #tpu.memory_space<vmem>>, vector<16xf32>,
      %swap3A_731 = arith.constant 1 : i32
      %swap3A_732 = arith.index_cast %swap3A_731 : i32 to index
      %swap3A_733 = arith.index_cast %scan3A_606 : i32 to index
      %swap3A_734 = arith.constant 144 : index
      %swap3A_735 = tpu.vector_load %arg6[%swap3A_732, %swap3A_733, %swap3A_734] {strides = array<i32>} : memref<2x32x256xf32, #tpu.memory_space<vmem>>, vector<16xf32>,
      tpu.vector_store %arg6[%swap3A_732, %swap3A_733, %swap3A_734], %get3A_108 {strides = array<i32>} : memref<2x32x256xf32, #tpu.memory_space<vmem>>, vector<16xf32>,
      %swap3A_736 = arith.constant 1 : i32
      %swap3A_737 = arith.index_cast %swap3A_736 : i32 to index
      %swap3A_738 = arith.index_cast %scan3A_606 : i32 to index
      %swap3A_739 = arith.constant 160 : index
      %swap3A_740 = tpu.vector_load %arg6[%swap3A_737, %swap3A_738, %swap3A_739] {strides = array<i32>} : memref<2x32x256xf32, #tpu.memory_space<vmem>>, vector<16xf32>,
      tpu.vector_store %arg6[%swap3A_737, %swap3A_738, %swap3A_739], %get3A_112 {strides = array<i32>} : memref<2x32x256xf32, #tpu.memory_space<vmem>>, vector<16xf32>,
      %swap3A_741 = arith.constant 1 : i32
      %swap3A_742 = arith.index_cast %swap3A_741 : i32 to index
      %swap3A_743 = arith.index_cast %scan3A_606 : i32 to index
      %swap3A_744 = arith.constant 176 : index
      %swap3A_745 = tpu.vector_load %arg6[%swap3A_742, %swap3A_743, %swap3A_744] {strides = array<i32>} : memref<2x32x256xf32, #tpu.memory_space<vmem>>, vector<16xf32>,
      tpu.vector_store %arg6[%swap3A_742, %swap3A_743, %swap3A_744], %get3A_116 {strides = array<i32>} : memref<2x32x256xf32, #tpu.memory_space<vmem>>, vector<16xf32>,
      %swap3A_746 = arith.constant 1 : i32
      %swap3A_747 = arith.index_cast %swap3A_746 : i32 to index
      %swap3A_748 = arith.index_cast %scan3A_606 : i32 to index
      %swap3A_749 = arith.constant 192 : index
      %swap3A_750 = tpu.vector_load %arg6[%swap3A_747, %swap3A_748, %swap3A_749] {strides = array<i32>} : memref<2x32x256xf32, #tpu.memory_space<vmem>>, vector<16xf32>,
      tpu.vector_store %arg6[%swap3A_747, %swap3A_748, %swap3A_749], %get3A_120 {strides = array<i32>} : memref<2x32x256xf32, #tpu.memory_space<vmem>>, vector<16xf32>,
      %swap3A_751 = arith.constant 1 : i32
      %swap3A_752 = arith.index_cast %swap3A_751 : i32 to index
      %swap3A_753 = arith.index_cast %scan3A_606 : i32 to index
      %swap3A_754 = arith.constant 208 : index
      %swap3A_755 = tpu.vector_load %arg6[%swap3A_752, %swap3A_753, %swap3A_754] {strides = array<i32>} : memref<2x32x256xf32, #tpu.memory_space<vmem>>, vector<16xf32>,
      tpu.vector_store %arg6[%swap3A_752, %swap3A_753, %swap3A_754], %get3A_124 {strides = array<i32>} : memref<2x32x256xf32, #tpu.memory_space<vmem>>, vector<16xf32>,
      %swap3A_756 = arith.constant 1 : i32
      %swap3A_757 = arith.index_cast %swap3A_756 : i32 to index
      %swap3A_758 = arith.index_cast %scan3A_606 : i32 to index
      %swap3A_759 = arith.constant 224 : index
      %swap3A_760 = tpu.vector_load %arg6[%swap3A_757, %swap3A_758, %swap3A_759] {strides = array<i32>} : memref<2x32x256xf32, #tpu.memory_space<vmem>>, vector<16xf32>,
      tpu.vector_store %arg6[%swap3A_757, %swap3A_758, %swap3A_759], %get3A_128 {strides = array<i32>} : memref<2x32x256xf32, #tpu.memory_space<vmem>>, vector<16xf32>,
      %swap3A_761 = arith.constant 1 : i32
      %swap3A_762 = arith.index_cast %swap3A_761 : i32 to index
      %swap3A_763 = arith.index_cast %scan3A_606 : i32 to index
      %swap3A_764 = arith.constant 240 : index
      %swap3A_765 = tpu.vector_load %arg6[%swap3A_762, %swap3A_763, %swap3A_764] {strides = array<i32>} : memref<2x32x256xf32, #tpu.memory_space<vmem>>, vector<16xf32>,
      tpu.vector_store %arg6[%swap3A_762, %swap3A_763, %swap3A_764], %get3A_132 {strides = array<i32>} : memref<2x32x256xf32, #tpu.memory_space<vmem>>, vector<16xf32>,
    }
    %scan3A_137 = arith.constant 32 : i32
    %add3A = arith.constant 0 : i32
    %add3A_138 = arith.addi %mul3A_0, %add3A : i32
    %dma_start3A_139 = arith.constant 0 : i32
    %dma_start3A_140 = arith.constant 0 : i32
    %dma_start3A_141 = arith.constant 0 : i32
    %dma_start3A_142 = arith.constant 0 : i32
    %dma_start3A_143 = tpu.memref_slice %arg6[%dma_start3A_139, %dma_start3A_141, %dma_start3A_142] : memref<2x32x256xf32, #tpu.memory_space<vmem>> -> memref<1x32x256xf32, #tpu.memory_space<vmem>>
    %dma_start3A_144 = tpu.memref_squeeze %dma_start3A_143 : memref<1x32x256xf32, #tpu.memory_space<vmem>> -> memref<32x256xf32, #tpu.memory_space<vmem>>
    %dma_start3A_145 = arith.constant 0 : i32
    %dma_start3A_146 = arith.constant 256 : i32
    %dma_start3A_147 = tpu.memref_slice %arg4[%dma_start3A_140, %add3A_138, %dma_start3A_145, %dma_start3A_146] : memref<4x32x32x512xf32, #tpu.memory_space<hbm>> -> memref<1x1x32x256xf32, #tpu.memory_space<hbm>>
    %dma_start3A_148 = tpu.memref_squeeze %dma_start3A_147 : memref<1x1x32x256xf32, #tpu.memory_space<hbm>> -> memref<32x256xf32, #tpu.memory_space<hbm>>
    %dma_start3A_149 = arith.constant 0 : i32
    %dma_start3A_150 = arith.constant 256 : i32
    %dma_start3A_151 = tpu.memref_slice %arg4[%dma_start3A_140, %add3A_138, %dma_start3A_149, %dma_start3A_150] : memref<4x32x32x512xf32, #tpu.memory_space<hbm>> -> memref<1x1x32x256xf32, #tpu.memory_space<hbm>>
    %dma_start3A_152 = tpu.memref_squeeze %dma_start3A_151 : memref<1x1x32x256xf32, #tpu.memory_space<hbm>> -> memref<32x256xf32, #tpu.memory_space<hbm>>
    %dma_start3A_153 = arith.constant 0 : i32
    %dma_start3A_154 = arith.constant 0 : i32
    %dma_start3A_155 = tpu.memref_slice %arg6[%dma_start3A_139, %dma_start3A_153, %dma_start3A_154] : memref<2x32x256xf32, #tpu.memory_space<vmem>> -> memref<1x32x256xf32, #tpu.memory_space<vmem>>
    %dma_start3A_156 = tpu.memref_squeeze %dma_start3A_155 : memref<1x32x256xf32, #tpu.memory_space<vmem>> -> memref<32x256xf32, #tpu.memory_space<vmem>>
    tpu.enqueue_dma source(%dma_start3A_156 : memref<32x256xf32, #tpu.memory_space<vmem>>) target(%dma_start3A_152 : memref<32x256xf32, #tpu.memory_space<hbm>>) target_semaphore(%arg9 : memref<!tpu.dma_semaphore, #tpu.memory_space<semaphore_mem>>)
    %add3A_157 = arith.constant 0 : i32
    %add3A_158 = arith.addi %mul3A_0, %add3A_157 : i32
    %dma_start3A_159 = arith.constant 0 : i32
    %dma_start3A_160 = arith.constant 1 : i32
    %dma_start3A_161 = arith.constant 0 : i32
    %dma_start3A_162 = arith.constant 0 : i32
    %dma_start3A_163 = tpu.memref_slice %arg6[%dma_start3A_159, %dma_start3A_161, %dma_start3A_162] : memref<2x32x256xf32, #tpu.memory_space<vmem>> -> memref<1x32x256xf32, #tpu.memory_space<vmem>>
    %dma_start3A_164 = tpu.memref_squeeze %dma_start3A_163 : memref<1x32x256xf32, #tpu.memory_space<vmem>> -> memref<32x256xf32, #tpu.memory_space<vmem>>
    %dma_start3A_165 = arith.constant 0 : i32
    %dma_start3A_166 = arith.constant 256 : i32
    %dma_start3A_167 = tpu.memref_slice %arg4[%dma_start3A_160, %add3A_158, %dma_start3A_165, %dma_start3A_166] : memref<4x32x32x512xf32, #tpu.memory_space<hbm>> -> memref<1x1x32x256xf32, #tpu.memory_space<hbm>>
    %dma_start3A_168 = tpu.memref_squeeze %dma_start3A_167 : memref<1x1x32x256xf32, #tpu.memory_space<hbm>> -> memref<32x256xf32, #tpu.memory_space<hbm>>
    %dma_start3A_169 = arith.constant 0 : i32
    %dma_start3A_170 = arith.constant 256 : i32
    %dma_start3A_171 = tpu.memref_slice %arg4[%dma_start3A_160, %add3A_158, %dma_start3A_169, %dma_start3A_170] : memref<4x32x32x512xf32, #tpu.memory_space<hbm>> -> memref<1x1x32x256xf32, #tpu.memory_space<hbm>>
    %dma_start3A_172 = tpu.memref_squeeze %dma_start3A_171 : memref<1x1x32x256xf32, #tpu.memory_space<hbm>> -> memref<32x256xf32, #tpu.memory_space<hbm>>
    %dma_start3A_173 = arith.constant 0 : i32
    %dma_start3A_174 = arith.constant 0 : i32
    %dma_start3A_175 = tpu.memref_slice %arg6[%dma_start3A_159, %dma_start3A_173, %dma_start3A_174] : memref<2x32x256xf32, #tpu.memory_space<vmem>> -> memref<1x32x256xf32, #tpu.memory_space<vmem>>
    %dma_start3A_176 = tpu.memref_squeeze %dma_start3A_175 : memref<1x32x256xf32, #tpu.memory_space<vmem>> -> memref<32x256xf32, #tpu.memory_space<vmem>>
    tpu.enqueue_dma source(%dma_start3A_176 : memref<32x256xf32, #tpu.memory_space<vmem>>) target(%dma_start3A_172 : memref<32x256xf32, #tpu.memory_space<hbm>>) target_semaphore(%arg9 : memref<!tpu.dma_semaphore, #tpu.memory_space<semaphore_mem>>)
    %add3A_177 = arith.constant 0 : i32
    %add3A_178 = arith.addi %mul3A_0, %add3A_177 : i32
    %dma_start3A_179 = arith.constant 0 : i32
    %dma_start3A_180 = arith.constant 2 : i32
    %dma_start3A_181 = arith.constant 0 : i32
    %dma_start3A_182 = arith.constant 0 : i32
    %dma_start3A_183 = tpu.memref_slice %arg6[%dma_start3A_179, %dma_start3A_181, %dma_start3A_182] : memref<2x32x256xf32, #tpu.memory_space<vmem>> -> memref<1x32x256xf32, #tpu.memory_space<vmem>>
    %dma_start3A_184 = tpu.memref_squeeze %dma_start3A_183 : memref<1x32x256xf32, #tpu.memory_space<vmem>> -> memref<32x256xf32, #tpu.memory_space<vmem>>
    %dma_start3A_185 = arith.constant 0 : i32
    %dma_start3A_186 = arith.constant 256 : i32
    %dma_start3A_187 = tpu.memref_slice %arg4[%dma_start3A_180, %add3A_178, %dma_start3A_185, %dma_start3A_186] : memref<4x32x32x512xf32, #tpu.memory_space<hbm>> -> memref<1x1x32x256xf32, #tpu.memory_space<hbm>>
    %dma_start3A_188 = tpu.memref_squeeze %dma_start3A_187 : memref<1x1x32x256xf32, #tpu.memory_space<hbm>> -> memref<32x256xf32, #tpu.memory_space<hbm>>
    %dma_start3A_189 = arith.constant 0 : i32
    %dma_start3A_190 = arith.constant 256 : i32
    %dma_start3A_191 = tpu.memref_slice %arg4[%dma_start3A_180, %add3A_178, %dma_start3A_189, %dma_start3A_190] : memref<4x32x32x512xf32, #tpu.memory_space<hbm>> -> memref<1x1x32x256xf32, #tpu.memory_space<hbm>>
    %dma_start3A_192 = tpu.memref_squeeze %dma_start3A_191 : memref<1x1x32x256xf32, #tpu.memory_space<hbm>> -> memref<32x256xf32, #tpu.memory_space<hbm>>
    %dma_start3A_193 = arith.constant 0 : i32
    %dma_start3A_194 = arith.constant 0 : i32
    %dma_start3A_195 = tpu.memref_slice %arg6[%dma_start3A_179, %dma_start3A_193, %dma_start3A_194] : memref<2x32x256xf32, #tpu.memory_space<vmem>> -> memref<1x32x256xf32, #tpu.memory_space<vmem>>
    %dma_start3A_196 = tpu.memref_squeeze %dma_start3A_195 : memref<1x32x256xf32, #tpu.memory_space<vmem>> -> memref<32x256xf32, #tpu.memory_space<vmem>>
    tpu.enqueue_dma source(%dma_start3A_196 : memref<32x256xf32, #tpu.memory_space<vmem>>) target(%dma_start3A_192 : memref<32x256xf32, #tpu.memory_space<hbm>>) target_semaphore(%arg9 : memref<!tpu.dma_semaphore, #tpu.memory_space<semaphore_mem>>)
    %add3A_197 = arith.constant 0 : i32
    %add3A_198 = arith.addi %mul3A_0, %add3A_197 : i32
    %dma_start3A_199 = arith.constant 0 : i32
    %dma_start3A_200 = arith.constant 3 : i32
    %dma_start3A_201 = arith.constant 0 : i32
    %dma_start3A_202 = arith.constant 0 : i32
    %dma_start3A_203 = tpu.memref_slice %arg6[%dma_start3A_199, %dma_start3A_201, %dma_start3A_202] : memref<2x32x256xf32, #tpu.memory_space<vmem>> -> memref<1x32x256xf32, #tpu.memory_space<vmem>>
    %dma_start3A_204 = tpu.memref_squeeze %dma_start3A_203 : memref<1x32x256xf32, #tpu.memory_space<vmem>> -> memref<32x256xf32, #tpu.memory_space<vmem>>
    %dma_start3A_205 = arith.constant 0 : i32
    %dma_start3A_206 = arith.constant 256 : i32
    %dma_start3A_207 = tpu.memref_slice %arg4[%dma_start3A_200, %add3A_198, %dma_start3A_205, %dma_start3A_206] : memref<4x32x32x512xf32, #tpu.memory_space<hbm>> -> memref<1x1x32x256xf32, #tpu.memory_space<hbm>>
    %dma_start3A_208 = tpu.memref_squeeze %dma_start3A_207 : memref<1x1x32x256xf32, #tpu.memory_space<hbm>> -> memref<32x256xf32, #tpu.memory_space<hbm>>
    %dma_start3A_209 = arith.constant 0 : i32
    %dma_start3A_210 = arith.constant 256 : i32
    %dma_start3A_211 = tpu.memref_slice %arg4[%dma_start3A_200, %add3A_198, %dma_start3A_209, %dma_start3A_210] : memref<4x32x32x512xf32, #tpu.memory_space<hbm>> -> memref<1x1x32x256xf32, #tpu.memory_space<hbm>>
    %dma_start3A_212 = tpu.memref_squeeze %dma_start3A_211 : memref<1x1x32x256xf32, #tpu.memory_space<hbm>> -> memref<32x256xf32, #tpu.memory_space<hbm>>
    %dma_start3A_213 = arith.constant 0 : i32
    %dma_start3A_214 = arith.constant 0 : i32
    %dma_start3A_215 = tpu.memref_slice %arg6[%dma_start3A_199, %dma_start3A_213, %dma_start3A_214] : memref<2x32x256xf32, #tpu.memory_space<vmem>> -> memref<1x32x256xf32, #tpu.memory_space<vmem>>
    %dma_start3A_216 = tpu.memref_squeeze %dma_start3A_215 : memref<1x32x256xf32, #tpu.memory_space<vmem>> -> memref<32x256xf32, #tpu.memory_space<vmem>>
    tpu.enqueue_dma source(%dma_start3A_216 : memref<32x256xf32, #tpu.memory_space<vmem>>) target(%dma_start3A_212 : memref<32x256xf32, #tpu.memory_space<hbm>>) target_semaphore(%arg9 : memref<!tpu.dma_semaphore, #tpu.memory_space<semaphore_mem>>)
    %add3A_217 = arith.constant 1 : i32
    %add3A_218 = arith.addi %mul3A_0, %add3A_217 : i32
    %dma_start3A_219 = arith.constant 1 : i32
    %dma_start3A_220 = arith.constant 0 : i32
    %dma_start3A_221 = arith.constant 0 : i32
    %dma_start3A_222 = arith.constant 0 : i32
    %dma_start3A_223 = tpu.memref_slice %arg6[%dma_start3A_219, %dma_start3A_221, %dma_start3A_222] : memref<2x32x256xf32, #tpu.memory_space<vmem>> -> memref<1x32x256xf32, #tpu.memory_space<vmem>>
    %dma_start3A_224 = tpu.memref_squeeze %dma_start3A_223 : memref<1x32x256xf32, #tpu.memory_space<vmem>> -> memref<32x256xf32, #tpu.memory_space<vmem>>
    %dma_start3A_225 = arith.constant 0 : i32
    %dma_start3A_226 = arith.constant 256 : i32
    %dma_start3A_227 = tpu.memref_slice %arg4[%dma_start3A_220, %add3A_218, %dma_start3A_225, %dma_start3A_226] : memref<4x32x32x512xf32, #tpu.memory_space<hbm>> -> memref<1x1x32x256xf32, #tpu.memory_space<hbm>>
    %dma_start3A_228 = tpu.memref_squeeze %dma_start3A_227 : memref<1x1x32x256xf32, #tpu.memory_space<hbm>> -> memref<32x256xf32, #tpu.memory_space<hbm>>
    %dma_start3A_229 = arith.constant 0 : i32
    %dma_start3A_230 = arith.constant 256 : i32
    %dma_start3A_231 = tpu.memref_slice %arg4[%dma_start3A_220, %add3A_218, %dma_start3A_229, %dma_start3A_230] : memref<4x32x32x512xf32, #tpu.memory_space<hbm>> -> memref<1x1x32x256xf32, #tpu.memory_space<hbm>>
    %dma_start3A_232 = tpu.memref_squeeze %dma_start3A_231 : memref<1x1x32x256xf32, #tpu.memory_space<hbm>> -> memref<32x256xf32, #tpu.memory_space<hbm>>
    %dma_start3A_233 = arith.constant 0 : i32
    %dma_start3A_234 = arith.constant 0 : i32
    %dma_start3A_235 = tpu.memref_slice %arg6[%dma_start3A_219, %dma_start3A_233, %dma_start3A_234] : memref<2x32x256xf32, #tpu.memory_space<vmem>> -> memref<1x32x256xf32, #tpu.memory_space<vmem>>
    %dma_start3A_236 = tpu.memref_squeeze %dma_start3A_235 : memref<1x32x256xf32, #tpu.memory_space<vmem>> -> memref<32x256xf32, #tpu.memory_space<vmem>>
    tpu.enqueue_dma source(%dma_start3A_236 : memref<32x256xf32, #tpu.memory_space<vmem>>) target(%dma_start3A_232 : memref<32x256xf32, #tpu.memory_space<hbm>>) target_semaphore(%arg9 : memref<!tpu.dma_semaphore, #tpu.memory_space<semaphore_mem>>)
    %add3A_237 = arith.constant 1 : i32
    %add3A_238 = arith.addi %mul3A_0, %add3A_237 : i32
    %dma_start3A_239 = arith.constant 1 : i32
    %dma_start3A_240 = arith.constant 1 : i32
    %dma_start3A_241 = arith.constant 0 : i32
    %dma_start3A_242 = arith.constant 0 : i32
    %dma_start3A_243 = tpu.memref_slice %arg6[%dma_start3A_239, %dma_start3A_241, %dma_start3A_242] : memref<2x32x256xf32, #tpu.memory_space<vmem>> -> memref<1x32x256xf32, #tpu.memory_space<vmem>>
    %dma_start3A_244 = tpu.memref_squeeze %dma_start3A_243 : memref<1x32x256xf32, #tpu.memory_space<vmem>> -> memref<32x256xf32, #tpu.memory_space<vmem>>
    %dma_start3A_245 = arith.constant 0 : i32
    %dma_start3A_246 = arith.constant 256 : i32
    %dma_start3A_247 = tpu.memref_slice %arg4[%dma_start3A_240, %add3A_238, %dma_start3A_245, %dma_start3A_246] : memref<4x32x32x512xf32, #tpu.memory_space<hbm>> -> memref<1x1x32x256xf32, #tpu.memory_space<hbm>>
    %dma_start3A_248 = tpu.memref_squeeze %dma_start3A_247 : memref<1x1x32x256xf32, #tpu.memory_space<hbm>> -> memref<32x256xf32, #tpu.memory_space<hbm>>
    %dma_start3A_249 = arith.constant 0 : i32
    %dma_start3A_250 = arith.constant 256 : i32
    %dma_start3A_251 = tpu.memref_slice %arg4[%dma_start3A_240, %add3A_238, %dma_start3A_249, %dma_start3A_250] : memref<4x32x32x512xf32, #tpu.memory_space<hbm>> -> memref<1x1x32x256xf32, #tpu.memory_space<hbm>>
    %dma_start3A_252 = tpu.memref_squeeze %dma_start3A_251 : memref<1x1x32x256xf32, #tpu.memory_space<hbm>> -> memref<32x256xf32, #tpu.memory_space<hbm>>
    %dma_start3A_253 = arith.constant 0 : i32
    %dma_start3A_254 = arith.constant 0 : i32
    %dma_start3A_255 = tpu.memref_slice %arg6[%dma_start3A_239, %dma_start3A_253, %dma_start3A_254] : memref<2x32x256xf32, #tpu.memory_space<vmem>> -> memref<1x32x256xf32, #tpu.memory_space<vmem>>
    %dma_start3A_256 = tpu.memref_squeeze %dma_start3A_255 : memref<1x32x256xf32, #tpu.memory_space<vmem>> -> memref<32x256xf32, #tpu.memory_space<vmem>>
    tpu.enqueue_dma source(%dma_start3A_256 : memref<32x256xf32, #tpu.memory_space<vmem>>) target(%dma_start3A_252 : memref<32x256xf32, #tpu.memory_space<hbm>>) target_semaphore(%arg9 : memref<!tpu.dma_semaphore, #tpu.memory_space<semaphore_mem>>)
    %add3A_257 = arith.constant 1 : i32
    %add3A_258 = arith.addi %mul3A_0, %add3A_257 : i32
    %dma_start3A_259 = arith.constant 1 : i32
    %dma_start3A_260 = arith.constant 2 : i32
    %dma_start3A_261 = arith.constant 0 : i32
    %dma_start3A_262 = arith.constant 0 : i32
    %dma_start3A_263 = tpu.memref_slice %arg6[%dma_start3A_259, %dma_start3A_261, %dma_start3A_262] : memref<2x32x256xf32, #tpu.memory_space<vmem>> -> memref<1x32x256xf32, #tpu.memory_space<vmem>>
    %dma_start3A_264 = tpu.memref_squeeze %dma_start3A_263 : memref<1x32x256xf32, #tpu.memory_space<vmem>> -> memref<32x256xf32, #tpu.memory_space<vmem>>
    %dma_start3A_265 = arith.constant 0 : i32
    %dma_start3A_266 = arith.constant 256 : i32
    %dma_start3A_267 = tpu.memref_slice %arg4[%dma_start3A_260, %add3A_258, %dma_start3A_265, %dma_start3A_266] : memref<4x32x32x512xf32, #tpu.memory_space<hbm>> -> memref<1x1x32x256xf32, #tpu.memory_space<hbm>>
    %dma_start3A_268 = tpu.memref_squeeze %dma_start3A_267 : memref<1x1x32x256xf32, #tpu.memory_space<hbm>> -> memref<32x256xf32, #tpu.memory_space<hbm>>
    %dma_start3A_269 = arith.constant 0 : i32
    %dma_start3A_270 = arith.constant 256 : i32
    %dma_start3A_271 = tpu.memref_slice %arg4[%dma_start3A_260, %add3A_258, %dma_start3A_269, %dma_start3A_270] : memref<4x32x32x512xf32, #tpu.memory_space<hbm>> -> memref<1x1x32x256xf32, #tpu.memory_space<hbm>>
    %dma_start3A_272 = tpu.memref_squeeze %dma_start3A_271 : memref<1x1x32x256xf32, #tpu.memory_space<hbm>> -> memref<32x256xf32, #tpu.memory_space<hbm>>
    %dma_start3A_273 = arith.constant 0 : i32
    %dma_start3A_274 = arith.constant 0 : i32
    %dma_start3A_275 = tpu.memref_slice %arg6[%dma_start3A_259, %dma_start3A_273, %dma_start3A_274] : memref<2x32x256xf32, #tpu.memory_space<vmem>> -> memref<1x32x256xf32, #tpu.memory_space<vmem>>
    %dma_start3A_276 = tpu.memref_squeeze %dma_start3A_275 : memref<1x32x256xf32, #tpu.memory_space<vmem>> -> memref<32x256xf32, #tpu.memory_space<vmem>>
    tpu.enqueue_dma source(%dma_start3A_276 : memref<32x256xf32, #tpu.memory_space<vmem>>) target(%dma_start3A_272 : memref<32x256xf32, #tpu.memory_space<hbm>>) target_semaphore(%arg9 : memref<!tpu.dma_semaphore, #tpu.memory_space<semaphore_mem>>)
    %add3A_277 = arith.constant 1 : i32
    %add3A_278 = arith.addi %mul3A_0, %add3A_277 : i32
    %dma_start3A_279 = arith.constant 1 : i32
    %dma_start3A_280 = arith.constant 3 : i32
    %dma_start3A_281 = arith.constant 0 : i32
    %dma_start3A_282 = arith.constant 0 : i32
    %dma_start3A_283 = tpu.memref_slice %arg6[%dma_start3A_279, %dma_start3A_281, %dma_start3A_282] : memref<2x32x256xf32, #tpu.memory_space<vmem>> -> memref<1x32x256xf32, #tpu.memory_space<vmem>>
    %dma_start3A_284 = tpu.memref_squeeze %dma_start3A_283 : memref<1x32x256xf32, #tpu.memory_space<vmem>> -> memref<32x256xf32, #tpu.memory_space<vmem>>
    %dma_start3A_285 = arith.constant 0 : i32
    %dma_start3A_286 = arith.constant 256 : i32
    %dma_start3A_287 = tpu.memref_slice %arg4[%dma_start3A_280, %add3A_278, %dma_start3A_285, %dma_start3A_286] : memref<4x32x32x512xf32, #tpu.memory_space<hbm>> -> memref<1x1x32x256xf32, #tpu.memory_space<hbm>>
    %dma_start3A_288 = tpu.memref_squeeze %dma_start3A_287 : memref<1x1x32x256xf32, #tpu.memory_space<hbm>> -> memref<32x256xf32, #tpu.memory_space<hbm>>
    %dma_start3A_289 = arith.constant 0 : i32
    %dma_start3A_290 = arith.constant 256 : i32
    %dma_start3A_291 = tpu.memref_slice %arg4[%dma_start3A_280, %add3A_278, %dma_start3A_289, %dma_start3A_290] : memref<4x32x32x512xf32, #tpu.memory_space<hbm>> -> memref<1x1x32x256xf32, #tpu.memory_space<hbm>>
    %dma_start3A_292 = tpu.memref_squeeze %dma_start3A_291 : memref<1x1x32x256xf32, #tpu.memory_space<hbm>> -> memref<32x256xf32, #tpu.memory_space<hbm>>
    %dma_start3A_293 = arith.constant 0 : i32
    %dma_start3A_294 = arith.constant 0 : i32
    %dma_start3A_295 = tpu.memref_slice %arg6[%dma_start3A_279, %dma_start3A_293, %dma_start3A_294] : memref<2x32x256xf32, #tpu.memory_space<vmem>> -> memref<1x32x256xf32, #tpu.memory_space<vmem>>
    %dma_start3A_296 = tpu.memref_squeeze %dma_start3A_295 : memref<1x32x256xf32, #tpu.memory_space<vmem>> -> memref<32x256xf32, #tpu.memory_space<vmem>>
    tpu.enqueue_dma source(%dma_start3A_296 : memref<32x256xf32, #tpu.memory_space<vmem>>) target(%dma_start3A_292 : memref<32x256xf32, #tpu.memory_space<hbm>>) target_semaphore(%arg9 : memref<!tpu.dma_semaphore, #tpu.memory_space<semaphore_mem>>)
    %dma_wait3A = arith.constant 0 : i32
    %dma_wait3A_297 = arith.constant 0 : i32
    %dma_wait3A_298 = tpu.memref_slice %arg3[%dma_wait3A, %dma_wait3A_297] : memref<50x256xf32, #tpu.memory_space<hbm>> -> memref<32x256xf32, #tpu.memory_space<hbm>>
    %dma_wait3A_299 = arith.constant 0 : i32
    %dma_wait3A_300 = arith.constant 0 : i32
    %dma_wait3A_301 = tpu.memref_slice %arg3[%dma_wait3A_299, %dma_wait3A_300] : memref<50x256xf32, #tpu.memory_space<hbm>> -> memref<32x256xf32, #tpu.memory_space<hbm>>
    tpu.wait_dma2 semaphore(%arg8 : memref<!tpu.dma_semaphore, #tpu.memory_space<semaphore_mem>>) src(%dma_wait3A_301 : memref<32x256xf32, #tpu.memory_space<hbm>>) dst(%arg5 : memref<32x256xf32, #tpu.memory_space<vmem>>)
    %add3A_302 = arith.constant 0 : i32
    %add3A_303 = arith.addi %mul3A_0, %add3A_302 : i32
    %dma_start3A_304 = arith.constant 0 : i32
    %dma_start3A_305 = arith.constant 0 : i32
    %dma_start3A_306 = arith.constant 0 : i32
    %dma_start3A_307 = tpu.memref_slice %arg4[%dma_start3A_304, %add3A_303, %dma_start3A_305, %dma_start3A_306] : memref<4x32x32x512xf32, #tpu.memory_space<hbm>> -> memref<1x1x32x256xf32, #tpu.memory_space<hbm>>
    %dma_start3A_308 = tpu.memref_squeeze %dma_start3A_307 : memref<1x1x32x256xf32, #tpu.memory_space<hbm>> -> memref<32x256xf32, #tpu.memory_space<hbm>>
    %dma_start3A_309 = arith.constant 0 : i32
    %dma_start3A_310 = arith.constant 0 : i32
    %dma_start3A_311 = tpu.memref_slice %arg4[%dma_start3A_304, %add3A_303, %dma_start3A_309, %dma_start3A_310] : memref<4x32x32x512xf32, #tpu.memory_space<hbm>> -> memref<1x1x32x256xf32, #tpu.memory_space<hbm>>
    %dma_start3A_312 = tpu.memref_squeeze %dma_start3A_311 : memref<1x1x32x256xf32, #tpu.memory_space<hbm>> -> memref<32x256xf32, #tpu.memory_space<hbm>>
    tpu.enqueue_dma source(%arg5 : memref<32x256xf32, #tpu.memory_space<vmem>>) target(%dma_start3A_312 : memref<32x256xf32, #tpu.memory_space<hbm>>) target_semaphore(%arg9 : memref<!tpu.dma_semaphore, #tpu.memory_space<semaphore_mem>>)
    %add3A_313 = arith.constant 0 : i32
    %add3A_314 = arith.addi %mul3A_0, %add3A_313 : i32
    %dma_start3A_315 = arith.constant 1 : i32
    %dma_start3A_316 = arith.constant 0 : i32
    %dma_start3A_317 = arith.constant 0 : i32
    %dma_start3A_318 = tpu.memref_slice %arg4[%dma_start3A_315, %add3A_314, %dma_start3A_316, %dma_start3A_317] : memref<4x32x32x512xf32, #tpu.memory_space<hbm>> -> memref<1x1x32x256xf32, #tpu.memory_space<hbm>>
    %dma_start3A_319 = tpu.memref_squeeze %dma_start3A_318 : memref<1x1x32x256xf32, #tpu.memory_space<hbm>> -> memref<32x256xf32, #tpu.memory_space<hbm>>
    %dma_start3A_320 = arith.constant 0 : i32
    %dma_start3A_321 = arith.constant 0 : i32
    %dma_start3A_322 = tpu.memref_slice %arg4[%dma_start3A_315, %add3A_314, %dma_start3A_320, %dma_start3A_321] : memref<4x32x32x512xf32, #tpu.memory_space<hbm>> -> memref<1x1x32x256xf32, #tpu.memory_space<hbm>>
    %dma_start3A_323 = tpu.memref_squeeze %dma_start3A_322 : memref<1x1x32x256xf32, #tpu.memory_space<hbm>> -> memref<32x256xf32, #tpu.memory_space<hbm>>
    tpu.enqueue_dma source(%arg5 : memref<32x256xf32, #tpu.memory_space<vmem>>) target(%dma_start3A_323 : memref<32x256xf32, #tpu.memory_space<hbm>>) target_semaphore(%arg9 : memref<!tpu.dma_semaphore, #tpu.memory_space<semaphore_mem>>)
    %add3A_324 = arith.constant 0 : i32
    %add3A_325 = arith.addi %mul3A_0, %add3A_324 : i32
    %dma_start3A_326 = arith.constant 2 : i32
    %dma_start3A_327 = arith.constant 0 : i32
    %dma_start3A_328 = arith.constant 0 : i32
    %dma_start3A_329 = tpu.memref_slice %arg4[%dma_start3A_326, %add3A_325, %dma_start3A_327, %dma_start3A_328] : memref<4x32x32x512xf32, #tpu.memory_space<hbm>> -> memref<1x1x32x256xf32, #tpu.memory_space<hbm>>
    %dma_start3A_330 = tpu.memref_squeeze %dma_start3A_329 : memref<1x1x32x256xf32, #tpu.memory_space<hbm>> -> memref<32x256xf32, #tpu.memory_space<hbm>>
    %dma_start3A_331 = arith.constant 0 : i32
    %dma_start3A_332 = arith.constant 0 : i32
    %dma_start3A_333 = tpu.memref_slice %arg4[%dma_start3A_326, %add3A_325, %dma_start3A_331, %dma_start3A_332] : memref<4x32x32x512xf32, #tpu.memory_space<hbm>> -> memref<1x1x32x256xf32, #tpu.memory_space<hbm>>
    %dma_start3A_334 = tpu.memref_squeeze %dma_start3A_333 : memref<1x1x32x256xf32, #tpu.memory_space<hbm>> -> memref<32x256xf32, #tpu.memory_space<hbm>>
    tpu.enqueue_dma source(%arg5 : memref<32x256xf32, #tpu.memory_space<vmem>>) target(%dma_start3A_334 : memref<32x256xf32, #tpu.memory_space<hbm>>) target_semaphore(%arg9 : memref<!tpu.dma_semaphore, #tpu.memory_space<semaphore_mem>>)
    %add3A_335 = arith.constant 0 : i32
    %add3A_336 = arith.addi %mul3A_0, %add3A_335 : i32
    %dma_start3A_337 = arith.constant 3 : i32
    %dma_start3A_338 = arith.constant 0 : i32
    %dma_start3A_339 = arith.constant 0 : i32
    %dma_start3A_340 = tpu.memref_slice %arg4[%dma_start3A_337, %add3A_336, %dma_start3A_338, %dma_start3A_339] : memref<4x32x32x512xf32, #tpu.memory_space<hbm>> -> memref<1x1x32x256xf32, #tpu.memory_space<hbm>>
    %dma_start3A_341 = tpu.memref_squeeze %dma_start3A_340 : memref<1x1x32x256xf32, #tpu.memory_space<hbm>> -> memref<32x256xf32, #tpu.memory_space<hbm>>
    %dma_start3A_342 = arith.constant 0 : i32
    %dma_start3A_343 = arith.constant 0 : i32
    %dma_start3A_344 = tpu.memref_slice %arg4[%dma_start3A_337, %add3A_336, %dma_start3A_342, %dma_start3A_343] : memref<4x32x32x512xf32, #tpu.memory_space<hbm>> -> memref<1x1x32x256xf32, #tpu.memory_space<hbm>>
    %dma_start3A_345 = tpu.memref_squeeze %dma_start3A_344 : memref<1x1x32x256xf32, #tpu.memory_space<hbm>> -> memref<32x256xf32, #tpu.memory_space<hbm>>
    tpu.enqueue_dma source(%arg5 : memref<32x256xf32, #tpu.memory_space<vmem>>) target(%dma_start3A_345 : memref<32x256xf32, #tpu.memory_space<hbm>>) target_semaphore(%arg9 : memref<!tpu.dma_semaphore, #tpu.memory_space<semaphore_mem>>)
    %add3A_346 = arith.constant 1 : i32
    %add3A_347 = arith.addi %mul3A_0, %add3A_346 : i32
    %dma_start3A_348 = arith.constant 0 : i32
    %dma_start3A_349 = arith.constant 0 : i32
    %dma_start3A_350 = arith.constant 0 : i32
    %dma_start3A_351 = tpu.memref_slice %arg4[%dma_start3A_348, %add3A_347, %dma_start3A_349, %dma_start3A_350] : memref<4x32x32x512xf32, #tpu.memory_space<hbm>> -> memref<1x1x32x256xf32, #tpu.memory_space<hbm>>
    %dma_start3A_352 = tpu.memref_squeeze %dma_start3A_351 : memref<1x1x32x256xf32, #tpu.memory_space<hbm>> -> memref<32x256xf32, #tpu.memory_space<hbm>>
    %dma_start3A_353 = arith.constant 0 : i32
    %dma_start3A_354 = arith.constant 0 : i32
    %dma_start3A_355 = tpu.memref_slice %arg4[%dma_start3A_348, %add3A_347, %dma_start3A_353, %dma_start3A_354] : memref<4x32x32x512xf32, #tpu.memory_space<hbm>> -> memref<1x1x32x256xf32, #tpu.memory_space<hbm>>
    %dma_start3A_356 = tpu.memref_squeeze %dma_start3A_355 : memref<1x1x32x256xf32, #tpu.memory_space<hbm>> -> memref<32x256xf32, #tpu.memory_space<hbm>>
    tpu.enqueue_dma source(%arg5 : memref<32x256xf32, #tpu.memory_space<vmem>>) target(%dma_start3A_356 : memref<32x256xf32, #tpu.memory_space<hbm>>) target_semaphore(%arg9 : memref<!tpu.dma_semaphore, #tpu.memory_space<semaphore_mem>>)
    %add3A_357 = arith.constant 1 : i32
    %add3A_358 = arith.addi %mul3A_0, %add3A_357 : i32
    %dma_start3A_359 = arith.constant 1 : i32
    %dma_start3A_360 = arith.constant 0 : i32
    %dma_start3A_361 = arith.constant 0 : i32
    %dma_start3A_362 = tpu.memref_slice %arg4[%dma_start3A_359, %add3A_358, %dma_start3A_360, %dma_start3A_361] : memref<4x32x32x512xf32, #tpu.memory_space<hbm>> -> memref<1x1x32x256xf32, #tpu.memory_space<hbm>>
    %dma_start3A_363 = tpu.memref_squeeze %dma_start3A_362 : memref<1x1x32x256xf32, #tpu.memory_space<hbm>> -> memref<32x256xf32, #tpu.memory_space<hbm>>
    %dma_start3A_364 = arith.constant 0 : i32
    %dma_start3A_365 = arith.constant 0 : i32
    %dma_start3A_366 = tpu.memref_slice %arg4[%dma_start3A_359, %add3A_358, %dma_start3A_364, %dma_start3A_365] : memref<4x32x32x512xf32, #tpu.memory_space<hbm>> -> memref<1x1x32x256xf32, #tpu.memory_space<hbm>>
    %dma_start3A_367 = tpu.memref_squeeze %dma_start3A_366 : memref<1x1x32x256xf32, #tpu.memory_space<hbm>> -> memref<32x256xf32, #tpu.memory_space<hbm>>
    tpu.enqueue_dma source(%arg5 : memref<32x256xf32, #tpu.memory_space<vmem>>) target(%dma_start3A_367 : memref<32x256xf32, #tpu.memory_space<hbm>>) target_semaphore(%arg9 : memref<!tpu.dma_semaphore, #tpu.memory_space<semaphore_mem>>)
    %add3A_368 = arith.constant 1 : i32
    %add3A_369 = arith.addi %mul3A_0, %add3A_368 : i32
    %dma_start3A_370 = arith.constant 2 : i32
    %dma_start3A_371 = arith.constant 0 : i32
    %dma_start3A_372 = arith.constant 0 : i32
    %dma_start3A_373 = tpu.memref_slice %arg4[%dma_start3A_370, %add3A_369, %dma_start3A_371, %dma_start3A_372] : memref<4x32x32x512xf32, #tpu.memory_space<hbm>> -> memref<1x1x32x256xf32, #tpu.memory_space<hbm>>
    %dma_start3A_374 = tpu.memref_squeeze %dma_start3A_373 : memref<1x1x32x256xf32, #tpu.memory_space<hbm>> -> memref<32x256xf32, #tpu.memory_space<hbm>>
    %dma_start3A_375 = arith.constant 0 : i32
    %dma_start3A_376 = arith.constant 0 : i32
    %dma_start3A_377 = tpu.memref_slice %arg4[%dma_start3A_370, %add3A_369, %dma_start3A_375, %dma_start3A_376] : memref<4x32x32x512xf32, #tpu.memory_space<hbm>> -> memref<1x1x32x256xf32, #tpu.memory_space<hbm>>
    %dma_start3A_378 = tpu.memref_squeeze %dma_start3A_377 : memref<1x1x32x256xf32, #tpu.memory_space<hbm>> -> memref<32x256xf32, #tpu.memory_space<hbm>>
    tpu.enqueue_dma source(%arg5 : memref<32x256xf32, #tpu.memory_space<vmem>>) target(%dma_start3A_378 : memref<32x256xf32, #tpu.memory_space<hbm>>) target_semaphore(%arg9 : memref<!tpu.dma_semaphore, #tpu.memory_space<semaphore_mem>>)
    %add3A_379 = arith.constant 1 : i32
    %add3A_380 = arith.addi %mul3A_0, %add3A_379 : i32
    %dma_start3A_381 = arith.constant 3 : i32
    %dma_start3A_382 = arith.constant 0 : i32
    %dma_start3A_383 = arith.constant 0 : i32
    %dma_start3A_384 = tpu.memref_slice %arg4[%dma_start3A_381, %add3A_380, %dma_start3A_382, %dma_start3A_383] : memref<4x32x32x512xf32, #tpu.memory_space<hbm>> -> memref<1x1x32x256xf32, #tpu.memory_space<hbm>>
    %dma_start3A_385 = tpu.memref_squeeze %dma_start3A_384 : memref<1x1x32x256xf32, #tpu.memory_space<hbm>> -> memref<32x256xf32, #tpu.memory_space<hbm>>
    %dma_start3A_386 = arith.constant 0 : i32
    %dma_start3A_387 = arith.constant 0 : i32
    %dma_start3A_388 = tpu.memref_slice %arg4[%dma_start3A_381, %add3A_380, %dma_start3A_386, %dma_start3A_387] : memref<4x32x32x512xf32, #tpu.memory_space<hbm>> -> memref<1x1x32x256xf32, #tpu.memory_space<hbm>>
    %dma_start3A_389 = tpu.memref_squeeze %dma_start3A_388 : memref<1x1x32x256xf32, #tpu.memory_space<hbm>> -> memref<32x256xf32, #tpu.memory_space<hbm>>
    tpu.enqueue_dma source(%arg5 : memref<32x256xf32, #tpu.memory_space<vmem>>) target(%dma_start3A_389 : memref<32x256xf32, #tpu.memory_space<hbm>>) target_semaphore(%arg9 : memref<!tpu.dma_semaphore, #tpu.memory_space<semaphore_mem>>)
    %dma_wait3A_390 = arith.constant 0 : i32
    %dma_wait3A_391 = arith.constant 0 : i32
    %dma_wait3A_392 = arith.constant 0 : i32
    %dma_wait3A_393 = arith.constant 0 : i32
    %dma_wait3A_394 = tpu.memref_slice %arg6[%dma_wait3A_390, %dma_wait3A_392, %dma_wait3A_393] : memref<2x32x256xf32, #tpu.memory_space<vmem>> -> memref<1x32x256xf32, #tpu.memory_space<vmem>>
    %dma_wait3A_395 = tpu.memref_squeeze %dma_wait3A_394 : memref<1x32x256xf32, #tpu.memory_space<vmem>> -> memref<32x256xf32, #tpu.memory_space<vmem>>
    %dma_wait3A_396 = arith.constant 0 : i32
    %dma_wait3A_397 = arith.constant 256 : i32
    %dma_wait3A_398 = tpu.memref_slice %arg4[%dma_wait3A_391, %add3A_138, %dma_wait3A_396, %dma_wait3A_397] : memref<4x32x32x512xf32, #tpu.memory_space<hbm>> -> memref<1x1x32x256xf32, #tpu.memory_space<hbm>>
    %dma_wait3A_399 = tpu.memref_squeeze %dma_wait3A_398 : memref<1x1x32x256xf32, #tpu.memory_space<hbm>> -> memref<32x256xf32, #tpu.memory_space<hbm>>
    %dma_wait3A_400 = arith.constant 0 : i32
    %dma_wait3A_401 = arith.constant 256 : i32
    %dma_wait3A_402 = tpu.memref_slice %arg4[%dma_wait3A_391, %add3A_138, %dma_wait3A_400, %dma_wait3A_401] : memref<4x32x32x512xf32, #tpu.memory_space<hbm>> -> memref<1x1x32x256xf32, #tpu.memory_space<hbm>>
    %dma_wait3A_403 = tpu.memref_squeeze %dma_wait3A_402 : memref<1x1x32x256xf32, #tpu.memory_space<hbm>> -> memref<32x256xf32, #tpu.memory_space<hbm>>
    %dma_wait3A_404 = arith.constant 0 : i32
    %dma_wait3A_405 = arith.constant 0 : i32
    %dma_wait3A_406 = tpu.memref_slice %arg6[%dma_wait3A_390, %dma_wait3A_404, %dma_wait3A_405] : memref<2x32x256xf32, #tpu.memory_space<vmem>> -> memref<1x32x256xf32, #tpu.memory_space<vmem>>
    %dma_wait3A_407 = tpu.memref_squeeze %dma_wait3A_406 : memref<1x32x256xf32, #tpu.memory_space<vmem>> -> memref<32x256xf32, #tpu.memory_space<vmem>>
    tpu.wait_dma2 semaphore(%arg9 : memref<!tpu.dma_semaphore, #tpu.memory_space<semaphore_mem>>) src(%dma_wait3A_407 : memref<32x256xf32, #tpu.memory_space<vmem>>) dst(%dma_wait3A_403 : memref<32x256xf32, #tpu.memory_space<hbm>>)
    %dma_wait3A_408 = arith.constant 0 : i32
    %dma_wait3A_409 = arith.constant 1 : i32
    %dma_wait3A_410 = arith.constant 0 : i32
    %dma_wait3A_411 = arith.constant 0 : i32
    %dma_wait3A_412 = tpu.memref_slice %arg6[%dma_wait3A_408, %dma_wait3A_410, %dma_wait3A_411] : memref<2x32x256xf32, #tpu.memory_space<vmem>> -> memref<1x32x256xf32, #tpu.memory_space<vmem>>
    %dma_wait3A_413 = tpu.memref_squeeze %dma_wait3A_412 : memref<1x32x256xf32, #tpu.memory_space<vmem>> -> memref<32x256xf32, #tpu.memory_space<vmem>>
    %dma_wait3A_414 = arith.constant 0 : i32
    %dma_wait3A_415 = arith.constant 256 : i32
    %dma_wait3A_416 = tpu.memref_slice %arg4[%dma_wait3A_409, %add3A_158, %dma_wait3A_414, %dma_wait3A_415] : memref<4x32x32x512xf32, #tpu.memory_space<hbm>> -> memref<1x1x32x256xf32, #tpu.memory_space<hbm>>
    %dma_wait3A_417 = tpu.memref_squeeze %dma_wait3A_416 : memref<1x1x32x256xf32, #tpu.memory_space<hbm>> -> memref<32x256xf32, #tpu.memory_space<hbm>>
    %dma_wait3A_418 = arith.constant 0 : i32
    %dma_wait3A_419 = arith.constant 256 : i32
    %dma_wait3A_420 = tpu.memref_slice %arg4[%dma_wait3A_409, %add3A_158, %dma_wait3A_418, %dma_wait3A_419] : memref<4x32x32x512xf32, #tpu.memory_space<hbm>> -> memref<1x1x32x256xf32, #tpu.memory_space<hbm>>
    %dma_wait3A_421 = tpu.memref_squeeze %dma_wait3A_420 : memref<1x1x32x256xf32, #tpu.memory_space<hbm>> -> memref<32x256xf32, #tpu.memory_space<hbm>>
    %dma_wait3A_422 = arith.constant 0 : i32
    %dma_wait3A_423 = arith.constant 0 : i32
    %dma_wait3A_424 = tpu.memref_slice %arg6[%dma_wait3A_408, %dma_wait3A_422, %dma_wait3A_423] : memref<2x32x256xf32, #tpu.memory_space<vmem>> -> memref<1x32x256xf32, #tpu.memory_space<vmem>>
    %dma_wait3A_425 = tpu.memref_squeeze %dma_wait3A_424 : memref<1x32x256xf32, #tpu.memory_space<vmem>> -> memref<32x256xf32, #tpu.memory_space<vmem>>
    tpu.wait_dma2 semaphore(%arg9 : memref<!tpu.dma_semaphore, #tpu.memory_space<semaphore_mem>>) src(%dma_wait3A_425 : memref<32x256xf32, #tpu.memory_space<vmem>>) dst(%dma_wait3A_421 : memref<32x256xf32, #tpu.memory_space<hbm>>)
    %dma_wait3A_426 = arith.constant 0 : i32
    %dma_wait3A_427 = arith.constant 2 : i32
    %dma_wait3A_428 = arith.constant 0 : i32
    %dma_wait3A_429 = arith.constant 0 : i32
    %dma_wait3A_430 = tpu.memref_slice %arg6[%dma_wait3A_426, %dma_wait3A_428, %dma_wait3A_429] : memref<2x32x256xf32, #tpu.memory_space<vmem>> -> memref<1x32x256xf32, #tpu.memory_space<vmem>>
    %dma_wait3A_431 = tpu.memref_squeeze %dma_wait3A_430 : memref<1x32x256xf32, #tpu.memory_space<vmem>> -> memref<32x256xf32, #tpu.memory_space<vmem>>
    %dma_wait3A_432 = arith.constant 0 : i32
    %dma_wait3A_433 = arith.constant 256 : i32
    %dma_wait3A_434 = tpu.memref_slice %arg4[%dma_wait3A_427, %add3A_178, %dma_wait3A_432, %dma_wait3A_433] : memref<4x32x32x512xf32, #tpu.memory_space<hbm>> -> memref<1x1x32x256xf32, #tpu.memory_space<hbm>>
    %dma_wait3A_435 = tpu.memref_squeeze %dma_wait3A_434 : memref<1x1x32x256xf32, #tpu.memory_space<hbm>> -> memref<32x256xf32, #tpu.memory_space<hbm>>
    %dma_wait3A_436 = arith.constant 0 : i32
    %dma_wait3A_437 = arith.constant 256 : i32
    %dma_wait3A_438 = tpu.memref_slice %arg4[%dma_wait3A_427, %add3A_178, %dma_wait3A_436, %dma_wait3A_437] : memref<4x32x32x512xf32, #tpu.memory_space<hbm>> -> memref<1x1x32x256xf32, #tpu.memory_space<hbm>>
    %dma_wait3A_439 = tpu.memref_squeeze %dma_wait3A_438 : memref<1x1x32x256xf32, #tpu.memory_space<hbm>> -> memref<32x256xf32, #tpu.memory_space<hbm>>
    %dma_wait3A_440 = arith.constant 0 : i32
    %dma_wait3A_441 = arith.constant 0 : i32
    %dma_wait3A_442 = tpu.memref_slice %arg6[%dma_wait3A_426, %dma_wait3A_440, %dma_wait3A_441] : memref<2x32x256xf32, #tpu.memory_space<vmem>> -> memref<1x32x256xf32, #tpu.memory_space<vmem>>
    %dma_wait3A_443 = tpu.memref_squeeze %dma_wait3A_442 : memref<1x32x256xf32, #tpu.memory_space<vmem>> -> memref<32x256xf32, #tpu.memory_space<vmem>>
    tpu.wait_dma2 semaphore(%arg9 : memref<!tpu.dma_semaphore, #tpu.memory_space<semaphore_mem>>) src(%dma_wait3A_443 : memref<32x256xf32, #tpu.memory_space<vmem>>) dst(%dma_wait3A_439 : memref<32x256xf32, #tpu.memory_space<hbm>>)
    %dma_wait3A_444 = arith.constant 0 : i32
    %dma_wait3A_445 = arith.constant 3 : i32
    %dma_wait3A_446 = arith.constant 0 : i32
    %dma_wait3A_447 = arith.constant 0 : i32
    %dma_wait3A_448 = tpu.memref_slice %arg6[%dma_wait3A_444, %dma_wait3A_446, %dma_wait3A_447] : memref<2x32x256xf32, #tpu.memory_space<vmem>> -> memref<1x32x256xf32, #tpu.memory_space<vmem>>
    %dma_wait3A_449 = tpu.memref_squeeze %dma_wait3A_448 : memref<1x32x256xf32, #tpu.memory_space<vmem>> -> memref<32x256xf32, #tpu.memory_space<vmem>>
    %dma_wait3A_450 = arith.constant 0 : i32
    %dma_wait3A_451 = arith.constant 256 : i32
    %dma_wait3A_452 = tpu.memref_slice %arg4[%dma_wait3A_445, %add3A_198, %dma_wait3A_450, %dma_wait3A_451] : memref<4x32x32x512xf32, #tpu.memory_space<hbm>> -> memref<1x1x32x256xf32, #tpu.memory_space<hbm>>
    %dma_wait3A_453 = tpu.memref_squeeze %dma_wait3A_452 : memref<1x1x32x256xf32, #tpu.memory_space<hbm>> -> memref<32x256xf32, #tpu.memory_space<hbm>>
    %dma_wait3A_454 = arith.constant 0 : i32
    %dma_wait3A_455 = arith.constant 256 : i32
    %dma_wait3A_456 = tpu.memref_slice %arg4[%dma_wait3A_445, %add3A_198, %dma_wait3A_454, %dma_wait3A_455] : memref<4x32x32x512xf32, #tpu.memory_space<hbm>> -> memref<1x1x32x256xf32, #tpu.memory_space<hbm>>
    %dma_wait3A_457 = tpu.memref_squeeze %dma_wait3A_456 : memref<1x1x32x256xf32, #tpu.memory_space<hbm>> -> memref<32x256xf32, #tpu.memory_space<hbm>>
    %dma_wait3A_458 = arith.constant 0 : i32
    %dma_wait3A_459 = arith.constant 0 : i32
    %dma_wait3A_460 = tpu.memref_slice %arg6[%dma_wait3A_444, %dma_wait3A_458, %dma_wait3A_459] : memref<2x32x256xf32, #tpu.memory_space<vmem>> -> memref<1x32x256xf32, #tpu.memory_space<vmem>>
    %dma_wait3A_461 = tpu.memref_squeeze %dma_wait3A_460 : memref<1x32x256xf32, #tpu.memory_space<vmem>> -> memref<32x256xf32, #tpu.memory_space<vmem>>
    tpu.wait_dma2 semaphore(%arg9 : memref<!tpu.dma_semaphore, #tpu.memory_space<semaphore_mem>>) src(%dma_wait3A_461 : memref<32x256xf32, #tpu.memory_space<vmem>>) dst(%dma_wait3A_457 : memref<32x256xf32, #tpu.memory_space<hbm>>)
    %dma_wait3A_462 = arith.constant 1 : i32
    %dma_wait3A_463 = arith.constant 0 : i32
    %dma_wait3A_464 = arith.constant 0 : i32
    %dma_wait3A_465 = arith.constant 0 : i32
    %dma_wait3A_466 = tpu.memref_slice %arg6[%dma_wait3A_462, %dma_wait3A_464, %dma_wait3A_465] : memref<2x32x256xf32, #tpu.memory_space<vmem>> -> memref<1x32x256xf32, #tpu.memory_space<vmem>>
    %dma_wait3A_467 = tpu.memref_squeeze %dma_wait3A_466 : memref<1x32x256xf32, #tpu.memory_space<vmem>> -> memref<32x256xf32, #tpu.memory_space<vmem>>
    %dma_wait3A_468 = arith.constant 0 : i32
    %dma_wait3A_469 = arith.constant 256 : i32
    %dma_wait3A_470 = tpu.memref_slice %arg4[%dma_wait3A_463, %add3A_218, %dma_wait3A_468, %dma_wait3A_469] : memref<4x32x32x512xf32, #tpu.memory_space<hbm>> -> memref<1x1x32x256xf32, #tpu.memory_space<hbm>>
    %dma_wait3A_471 = tpu.memref_squeeze %dma_wait3A_470 : memref<1x1x32x256xf32, #tpu.memory_space<hbm>> -> memref<32x256xf32, #tpu.memory_space<hbm>>
    %dma_wait3A_472 = arith.constant 0 : i32
    %dma_wait3A_473 = arith.constant 256 : i32
    %dma_wait3A_474 = tpu.memref_slice %arg4[%dma_wait3A_463, %add3A_218, %dma_wait3A_472, %dma_wait3A_473] : memref<4x32x32x512xf32, #tpu.memory_space<hbm>> -> memref<1x1x32x256xf32, #tpu.memory_space<hbm>>
    %dma_wait3A_475 = tpu.memref_squeeze %dma_wait3A_474 : memref<1x1x32x256xf32, #tpu.memory_space<hbm>> -> memref<32x256xf32, #tpu.memory_space<hbm>>
    %dma_wait3A_476 = arith.constant 0 : i32
    %dma_wait3A_477 = arith.constant 0 : i32
    %dma_wait3A_478 = tpu.memref_slice %arg6[%dma_wait3A_462, %dma_wait3A_476, %dma_wait3A_477] : memref<2x32x256xf32, #tpu.memory_space<vmem>> -> memref<1x32x256xf32, #tpu.memory_space<vmem>>
    %dma_wait3A_479 = tpu.memref_squeeze %dma_wait3A_478 : memref<1x32x256xf32, #tpu.memory_space<vmem>> -> memref<32x256xf32, #tpu.memory_space<vmem>>
    tpu.wait_dma2 semaphore(%arg9 : memref<!tpu.dma_semaphore, #tpu.memory_space<semaphore_mem>>) src(%dma_wait3A_479 : memref<32x256xf32, #tpu.memory_space<vmem>>) dst(%dma_wait3A_475 : memref<32x256xf32, #tpu.memory_space<hbm>>)
    %dma_wait3A_480 = arith.constant 1 : i32
    %dma_wait3A_481 = arith.constant 1 : i32
    %dma_wait3A_482 = arith.constant 0 : i32
    %dma_wait3A_483 = arith.constant 0 : i32
    %dma_wait3A_484 = tpu.memref_slice %arg6[%dma_wait3A_480, %dma_wait3A_482, %dma_wait3A_483] : memref<2x32x256xf32, #tpu.memory_space<vmem>> -> memref<1x32x256xf32, #tpu.memory_space<vmem>>
    %dma_wait3A_485 = tpu.memref_squeeze %dma_wait3A_484 : memref<1x32x256xf32, #tpu.memory_space<vmem>> -> memref<32x256xf32, #tpu.memory_space<vmem>>
    %dma_wait3A_486 = arith.constant 0 : i32
    %dma_wait3A_487 = arith.constant 256 : i32
    %dma_wait3A_488 = tpu.memref_slice %arg4[%dma_wait3A_481, %add3A_238, %dma_wait3A_486, %dma_wait3A_487] : memref<4x32x32x512xf32, #tpu.memory_space<hbm>> -> memref<1x1x32x256xf32, #tpu.memory_space<hbm>>
    %dma_wait3A_489 = tpu.memref_squeeze %dma_wait3A_488 : memref<1x1x32x256xf32, #tpu.memory_space<hbm>> -> memref<32x256xf32, #tpu.memory_space<hbm>>
    %dma_wait3A_490 = arith.constant 0 : i32
    %dma_wait3A_491 = arith.constant 256 : i32
    %dma_wait3A_492 = tpu.memref_slice %arg4[%dma_wait3A_481, %add3A_238, %dma_wait3A_490, %dma_wait3A_491] : memref<4x32x32x512xf32, #tpu.memory_space<hbm>> -> memref<1x1x32x256xf32, #tpu.memory_space<hbm>>
    %dma_wait3A_493 = tpu.memref_squeeze %dma_wait3A_492 : memref<1x1x32x256xf32, #tpu.memory_space<hbm>> -> memref<32x256xf32, #tpu.memory_space<hbm>>
    %dma_wait3A_494 = arith.constant 0 : i32
    %dma_wait3A_495 = arith.constant 0 : i32
    %dma_wait3A_496 = tpu.memref_slice %arg6[%dma_wait3A_480, %dma_wait3A_494, %dma_wait3A_495] : memref<2x32x256xf32, #tpu.memory_space<vmem>> -> memref<1x32x256xf32, #tpu.memory_space<vmem>>
    %dma_wait3A_497 = tpu.memref_squeeze %dma_wait3A_496 : memref<1x32x256xf32, #tpu.memory_space<vmem>> -> memref<32x256xf32, #tpu.memory_space<vmem>>
    tpu.wait_dma2 semaphore(%arg9 : memref<!tpu.dma_semaphore, #tpu.memory_space<semaphore_mem>>) src(%dma_wait3A_497 : memref<32x256xf32, #tpu.memory_space<vmem>>) dst(%dma_wait3A_493 : memref<32x256xf32, #tpu.memory_space<hbm>>)
    %dma_wait3A_498 = arith.constant 1 : i32
    %dma_wait3A_499 = arith.constant 2 : i32
    %dma_wait3A_500 = arith.constant 0 : i32
    %dma_wait3A_501 = arith.constant 0 : i32
    %dma_wait3A_502 = tpu.memref_slice %arg6[%dma_wait3A_498, %dma_wait3A_500, %dma_wait3A_501] : memref<2x32x256xf32, #tpu.memory_space<vmem>> -> memref<1x32x256xf32, #tpu.memory_space<vmem>>
    %dma_wait3A_503 = tpu.memref_squeeze %dma_wait3A_502 : memref<1x32x256xf32, #tpu.memory_space<vmem>> -> memref<32x256xf32, #tpu.memory_space<vmem>>
    %dma_wait3A_504 = arith.constant 0 : i32
    %dma_wait3A_505 = arith.constant 256 : i32
    %dma_wait3A_506 = tpu.memref_slice %arg4[%dma_wait3A_499, %add3A_258, %dma_wait3A_504, %dma_wait3A_505] : memref<4x32x32x512xf32, #tpu.memory_space<hbm>> -> memref<1x1x32x256xf32, #tpu.memory_space<hbm>>
    %dma_wait3A_507 = tpu.memref_squeeze %dma_wait3A_506 : memref<1x1x32x256xf32, #tpu.memory_space<hbm>> -> memref<32x256xf32, #tpu.memory_space<hbm>>
    %dma_wait3A_508 = arith.constant 0 : i32
    %dma_wait3A_509 = arith.constant 256 : i32
    %dma_wait3A_510 = tpu.memref_slice %arg4[%dma_wait3A_499, %add3A_258, %dma_wait3A_508, %dma_wait3A_509] : memref<4x32x32x512xf32, #tpu.memory_space<hbm>> -> memref<1x1x32x256xf32, #tpu.memory_space<hbm>>
    %dma_wait3A_511 = tpu.memref_squeeze %dma_wait3A_510 : memref<1x1x32x256xf32, #tpu.memory_space<hbm>> -> memref<32x256xf32, #tpu.memory_space<hbm>>
    %dma_wait3A_512 = arith.constant 0 : i32
    %dma_wait3A_513 = arith.constant 0 : i32
    %dma_wait3A_514 = tpu.memref_slice %arg6[%dma_wait3A_498, %dma_wait3A_512, %dma_wait3A_513] : memref<2x32x256xf32, #tpu.memory_space<vmem>> -> memref<1x32x256xf32, #tpu.memory_space<vmem>>
    %dma_wait3A_515 = tpu.memref_squeeze %dma_wait3A_514 : memref<1x32x256xf32, #tpu.memory_space<vmem>> -> memref<32x256xf32, #tpu.memory_space<vmem>>
    tpu.wait_dma2 semaphore(%arg9 : memref<!tpu.dma_semaphore, #tpu.memory_space<semaphore_mem>>) src(%dma_wait3A_515 : memref<32x256xf32, #tpu.memory_space<vmem>>) dst(%dma_wait3A_511 : memref<32x256xf32, #tpu.memory_space<hbm>>)
    %dma_wait3A_516 = arith.constant 1 : i32
    %dma_wait3A_517 = arith.constant 3 : i32
    %dma_wait3A_518 = arith.constant 0 : i32
    %dma_wait3A_519 = arith.constant 0 : i32
    %dma_wait3A_520 = tpu.memref_slice %arg6[%dma_wait3A_516, %dma_wait3A_518, %dma_wait3A_519] : memref<2x32x256xf32, #tpu.memory_space<vmem>> -> memref<1x32x256xf32, #tpu.memory_space<vmem>>
    %dma_wait3A_521 = tpu.memref_squeeze %dma_wait3A_520 : memref<1x32x256xf32, #tpu.memory_space<vmem>> -> memref<32x256xf32, #tpu.memory_space<vmem>>
    %dma_wait3A_522 = arith.constant 0 : i32
    %dma_wait3A_523 = arith.constant 256 : i32
    %dma_wait3A_524 = tpu.memref_slice %arg4[%dma_wait3A_517, %add3A_278, %dma_wait3A_522, %dma_wait3A_523] : memref<4x32x32x512xf32, #tpu.memory_space<hbm>> -> memref<1x1x32x256xf32, #tpu.memory_space<hbm>>
    %dma_wait3A_525 = tpu.memref_squeeze %dma_wait3A_524 : memref<1x1x32x256xf32, #tpu.memory_space<hbm>> -> memref<32x256xf32, #tpu.memory_space<hbm>>
    %dma_wait3A_526 = arith.constant 0 : i32
    %dma_wait3A_527 = arith.constant 256 : i32
    %dma_wait3A_528 = tpu.memref_slice %arg4[%dma_wait3A_517, %add3A_278, %dma_wait3A_526, %dma_wait3A_527] : memref<4x32x32x512xf32, #tpu.memory_space<hbm>> -> memref<1x1x32x256xf32, #tpu.memory_space<hbm>>
    %dma_wait3A_529 = tpu.memref_squeeze %dma_wait3A_528 : memref<1x1x32x256xf32, #tpu.memory_space<hbm>> -> memref<32x256xf32, #tpu.memory_space<hbm>>
    %dma_wait3A_530 = arith.constant 0 : i32
    %dma_wait3A_531 = arith.constant 0 : i32
    %dma_wait3A_532 = tpu.memref_slice %arg6[%dma_wait3A_516, %dma_wait3A_530, %dma_wait3A_531] : memref<2x32x256xf32, #tpu.memory_space<vmem>> -> memref<1x32x256xf32, #tpu.memory_space<vmem>>
    %dma_wait3A_533 = tpu.memref_squeeze %dma_wait3A_532 : memref<1x32x256xf32, #tpu.memory_space<vmem>> -> memref<32x256xf32, #tpu.memory_space<vmem>>
    tpu.wait_dma2 semaphore(%arg9 : memref<!tpu.dma_semaphore, #tpu.memory_space<semaphore_mem>>) src(%dma_wait3A_533 : memref<32x256xf32, #tpu.memory_space<vmem>>) dst(%dma_wait3A_529 : memref<32x256xf32, #tpu.memory_space<hbm>>)
    %dma_wait3A_534 = arith.constant 0 : i32
    %dma_wait3A_535 = arith.constant 0 : i32
    %dma_wait3A_536 = arith.constant 0 : i32
    %dma_wait3A_537 = tpu.memref_slice %arg4[%dma_wait3A_534, %add3A_303, %dma_wait3A_535, %dma_wait3A_536] : memref<4x32x32x512xf32, #tpu.memory_space<hbm>> -> memref<1x1x32x256xf32, #tpu.memory_space<hbm>>
    %dma_wait3A_538 = tpu.memref_squeeze %dma_wait3A_537 : memref<1x1x32x256xf32, #tpu.memory_space<hbm>> -> memref<32x256xf32, #tpu.memory_space<hbm>>
    %dma_wait3A_539 = arith.constant 0 : i32
    %dma_wait3A_540 = arith.constant 0 : i32
    %dma_wait3A_541 = tpu.memref_slice %arg4[%dma_wait3A_534, %add3A_303, %dma_wait3A_539, %dma_wait3A_540] : memref<4x32x32x512xf32, #tpu.memory_space<hbm>> -> memref<1x1x32x256xf32, #tpu.memory_space<hbm>>
    %dma_wait3A_542 = tpu.memref_squeeze %dma_wait3A_541 : memref<1x1x32x256xf32, #tpu.memory_space<hbm>> -> memref<32x256xf32, #tpu.memory_space<hbm>>
    tpu.wait_dma2 semaphore(%arg9 : memref<!tpu.dma_semaphore, #tpu.memory_space<semaphore_mem>>) src(%arg5 : memref<32x256xf32, #tpu.memory_space<vmem>>) dst(%dma_wait3A_542 : memref<32x256xf32, #tpu.memory_space<hbm>>)
    %dma_wait3A_543 = arith.constant 1 : i32
    %dma_wait3A_544 = arith.constant 0 : i32
    %dma_wait3A_545 = arith.constant 0 : i32
    %dma_wait3A_546 = tpu.memref_slice %arg4[%dma_wait3A_543, %add3A_314, %dma_wait3A_544, %dma_wait3A_545] : memref<4x32x32x512xf32, #tpu.memory_space<hbm>> -> memref<1x1x32x256xf32, #tpu.memory_space<hbm>>
    %dma_wait3A_547 = tpu.memref_squeeze %dma_wait3A_546 : memref<1x1x32x256xf32, #tpu.memory_space<hbm>> -> memref<32x256xf32, #tpu.memory_space<hbm>>
    %dma_wait3A_548 = arith.constant 0 : i32
    %dma_wait3A_549 = arith.constant 0 : i32
    %dma_wait3A_550 = tpu.memref_slice %arg4[%dma_wait3A_543, %add3A_314, %dma_wait3A_548, %dma_wait3A_549] : memref<4x32x32x512xf32, #tpu.memory_space<hbm>> -> memref<1x1x32x256xf32, #tpu.memory_space<hbm>>
    %dma_wait3A_551 = tpu.memref_squeeze %dma_wait3A_550 : memref<1x1x32x256xf32, #tpu.memory_space<hbm>> -> memref<32x256xf32, #tpu.memory_space<hbm>>
    tpu.wait_dma2 semaphore(%arg9 : memref<!tpu.dma_semaphore, #tpu.memory_space<semaphore_mem>>) src(%arg5 : memref<32x256xf32, #tpu.memory_space<vmem>>) dst(%dma_wait3A_551 : memref<32x256xf32, #tpu.memory_space<hbm>>)
    %dma_wait3A_552 = arith.constant 2 : i32
    %dma_wait3A_553 = arith.constant 0 : i32
    %dma_wait3A_554 = arith.constant 0 : i32
    %dma_wait3A_555 = tpu.memref_slice %arg4[%dma_wait3A_552, %add3A_325, %dma_wait3A_553, %dma_wait3A_554] : memref<4x32x32x512xf32, #tpu.memory_space<hbm>> -> memref<1x1x32x256xf32, #tpu.memory_space<hbm>>
    %dma_wait3A_556 = tpu.memref_squeeze %dma_wait3A_555 : memref<1x1x32x256xf32, #tpu.memory_space<hbm>> -> memref<32x256xf32, #tpu.memory_space<hbm>>
    %dma_wait3A_557 = arith.constant 0 : i32
    %dma_wait3A_558 = arith.constant 0 : i32
    %dma_wait3A_559 = tpu.memref_slice %arg4[%dma_wait3A_552, %add3A_325, %dma_wait3A_557, %dma_wait3A_558] : memref<4x32x32x512xf32, #tpu.memory_space<hbm>> -> memref<1x1x32x256xf32, #tpu.memory_space<hbm>>
    %dma_wait3A_560 = tpu.memref_squeeze %dma_wait3A_559 : memref<1x1x32x256xf32, #tpu.memory_space<hbm>> -> memref<32x256xf32, #tpu.memory_space<hbm>>
    tpu.wait_dma2 semaphore(%arg9 : memref<!tpu.dma_semaphore, #tpu.memory_space<semaphore_mem>>) src(%arg5 : memref<32x256xf32, #tpu.memory_space<vmem>>) dst(%dma_wait3A_560 : memref<32x256xf32, #tpu.memory_space<hbm>>)
    %dma_wait3A_561 = arith.constant 3 : i32
    %dma_wait3A_562 = arith.constant 0 : i32
    %dma_wait3A_563 = arith.constant 0 : i32
    %dma_wait3A_564 = tpu.memref_slice %arg4[%dma_wait3A_561, %add3A_336, %dma_wait3A_562, %dma_wait3A_563] : memref<4x32x32x512xf32, #tpu.memory_space<hbm>> -> memref<1x1x32x256xf32, #tpu.memory_space<hbm>>
    %dma_wait3A_565 = tpu.memref_squeeze %dma_wait3A_564 : memref<1x1x32x256xf32, #tpu.memory_space<hbm>> -> memref<32x256xf32, #tpu.memory_space<hbm>>
    %dma_wait3A_566 = arith.constant 0 : i32
    %dma_wait3A_567 = arith.constant 0 : i32
    %dma_wait3A_568 = tpu.memref_slice %arg4[%dma_wait3A_561, %add3A_336, %dma_wait3A_566, %dma_wait3A_567] : memref<4x32x32x512xf32, #tpu.memory_space<hbm>> -> memref<1x1x32x256xf32, #tpu.memory_space<hbm>>
    %dma_wait3A_569 = tpu.memref_squeeze %dma_wait3A_568 : memref<1x1x32x256xf32, #tpu.memory_space<hbm>> -> memref<32x256xf32, #tpu.memory_space<hbm>>
    tpu.wait_dma2 semaphore(%arg9 : memref<!tpu.dma_semaphore, #tpu.memory_space<semaphore_mem>>) src(%arg5 : memref<32x256xf32, #tpu.memory_space<vmem>>) dst(%dma_wait3A_569 : memref<32x256xf32, #tpu.memory_space<hbm>>)
    %dma_wait3A_570 = arith.constant 0 : i32
    %dma_wait3A_571 = arith.constant 0 : i32
    %dma_wait3A_572 = arith.constant 0 : i32
    %dma_wait3A_573 = tpu.memref_slice %arg4[%dma_wait3A_570, %add3A_347, %dma_wait3A_571, %dma_wait3A_572] : memref<4x32x32x512xf32, #tpu.memory_space<hbm>> -> memref<1x1x32x256xf32, #tpu.memory_space<hbm>>
    %dma_wait3A_574 = tpu.memref_squeeze %dma_wait3A_573 : memref<1x1x32x256xf32, #tpu.memory_space<hbm>> -> memref<32x256xf32, #tpu.memory_space<hbm>>
    %dma_wait3A_575 = arith.constant 0 : i32
    %dma_wait3A_576 = arith.constant 0 : i32
    %dma_wait3A_577 = tpu.memref_slice %arg4[%dma_wait3A_570, %add3A_347, %dma_wait3A_575, %dma_wait3A_576] : memref<4x32x32x512xf32, #tpu.memory_space<hbm>> -> memref<1x1x32x256xf32, #tpu.memory_space<hbm>>
    %dma_wait3A_578 = tpu.memref_squeeze %dma_wait3A_577 : memref<1x1x32x256xf32, #tpu.memory_space<hbm>> -> memref<32x256xf32, #tpu.memory_space<hbm>>
    tpu.wait_dma2 semaphore(%arg9 : memref<!tpu.dma_semaphore, #tpu.memory_space<semaphore_mem>>) src(%arg5 : memref<32x256xf32, #tpu.memory_space<vmem>>) dst(%dma_wait3A_578 : memref<32x256xf32, #tpu.memory_space<hbm>>)
    %dma_wait3A_579 = arith.constant 1 : i32
    %dma_wait3A_580 = arith.constant 0 : i32
    %dma_wait3A_581 = arith.constant 0 : i32
    %dma_wait3A_582 = tpu.memref_slice %arg4[%dma_wait3A_579, %add3A_358, %dma_wait3A_580, %dma_wait3A_581] : memref<4x32x32x512xf32, #tpu.memory_space<hbm>> -> memref<1x1x32x256xf32, #tpu.memory_space<hbm>>
    %dma_wait3A_583 = tpu.memref_squeeze %dma_wait3A_582 : memref<1x1x32x256xf32, #tpu.memory_space<hbm>> -> memref<32x256xf32, #tpu.memory_space<hbm>>
    %dma_wait3A_584 = arith.constant 0 : i32
    %dma_wait3A_585 = arith.constant 0 : i32
    %dma_wait3A_586 = tpu.memref_slice %arg4[%dma_wait3A_579, %add3A_358, %dma_wait3A_584, %dma_wait3A_585] : memref<4x32x32x512xf32, #tpu.memory_space<hbm>> -> memref<1x1x32x256xf32, #tpu.memory_space<hbm>>
    %dma_wait3A_587 = tpu.memref_squeeze %dma_wait3A_586 : memref<1x1x32x256xf32, #tpu.memory_space<hbm>> -> memref<32x256xf32, #tpu.memory_space<hbm>>
    tpu.wait_dma2 semaphore(%arg9 : memref<!tpu.dma_semaphore, #tpu.memory_space<semaphore_mem>>) src(%arg5 : memref<32x256xf32, #tpu.memory_space<vmem>>) dst(%dma_wait3A_587 : memref<32x256xf32, #tpu.memory_space<hbm>>)
    %dma_wait3A_588 = arith.constant 2 : i32
    %dma_wait3A_589 = arith.constant 0 : i32
    %dma_wait3A_590 = arith.constant 0 : i32
    %dma_wait3A_591 = tpu.memref_slice %arg4[%dma_wait3A_588, %add3A_369, %dma_wait3A_589, %dma_wait3A_590] : memref<4x32x32x512xf32, #tpu.memory_space<hbm>> -> memref<1x1x32x256xf32, #tpu.memory_space<hbm>>
    %dma_wait3A_592 = tpu.memref_squeeze %dma_wait3A_591 : memref<1x1x32x256xf32, #tpu.memory_space<hbm>> -> memref<32x256xf32, #tpu.memory_space<hbm>>
    %dma_wait3A_593 = arith.constant 0 : i32
    %dma_wait3A_594 = arith.constant 0 : i32
    %dma_wait3A_595 = tpu.memref_slice %arg4[%dma_wait3A_588, %add3A_369, %dma_wait3A_593, %dma_wait3A_594] : memref<4x32x32x512xf32, #tpu.memory_space<hbm>> -> memref<1x1x32x256xf32, #tpu.memory_space<hbm>>
    %dma_wait3A_596 = tpu.memref_squeeze %dma_wait3A_595 : memref<1x1x32x256xf32, #tpu.memory_space<hbm>> -> memref<32x256xf32, #tpu.memory_space<hbm>>
    tpu.wait_dma2 semaphore(%arg9 : memref<!tpu.dma_semaphore, #tpu.memory_space<semaphore_mem>>) src(%arg5 : memref<32x256xf32, #tpu.memory_space<vmem>>) dst(%dma_wait3A_596 : memref<32x256xf32, #tpu.memory_space<hbm>>)
    %dma_wait3A_597 = arith.constant 3 : i32
    %dma_wait3A_598 = arith.constant 0 : i32
    %dma_wait3A_599 = arith.constant 0 : i32
    %dma_wait3A_600 = tpu.memref_slice %arg4[%dma_wait3A_597, %add3A_380, %dma_wait3A_598, %dma_wait3A_599] : memref<4x32x32x512xf32, #tpu.memory_space<hbm>> -> memref<1x1x32x256xf32, #tpu.memory_space<hbm>>
    %dma_wait3A_601 = tpu.memref_squeeze %dma_wait3A_600 : memref<1x1x32x256xf32, #tpu.memory_space<hbm>> -> memref<32x256xf32, #tpu.memory_space<hbm>>
    %dma_wait3A_602 = arith.constant 0 : i32
    %dma_wait3A_603 = arith.constant 0 : i32
    %dma_wait3A_604 = tpu.memref_slice %arg4[%dma_wait3A_597, %add3A_380, %dma_wait3A_602, %dma_wait3A_603] : memref<4x32x32x512xf32, #tpu.memory_space<hbm>> -> memref<1x1x32x256xf32, #tpu.memory_space<hbm>>
    %dma_wait3A_605 = tpu.memref_squeeze %dma_wait3A_604 : memref<1x1x32x256xf32, #tpu.memory_space<hbm>> -> memref<32x256xf32, #tpu.memory_space<hbm>>
    tpu.wait_dma2 semaphore(%arg9 : memref<!tpu.dma_semaphore, #tpu.memory_space<semaphore_mem>>) src(%arg5 : memref<32x256xf32, #tpu.memory_space<vmem>>) dst(%dma_wait3A_605 : memref<32x256xf32, #tpu.memory_space<hbm>>)
    return
  }
}

</mosaic_0001>

<sc_bundles>
// kernel: _pos_embed_sc.3.cloned.1.call-start
scs
__scs_entry_jumppad:
0x0: {  	(pc) =	sbr.rel $0x88, $3  }
0x1: {  	(tag) =	ssettag $0x0;
	lr =	simm.s32 $0x1  }
0x2: {  	[smem:$0x3F9F] =	sst lr;
	_ =	strace $0xD0000000  }
0x3: {  	_ = 	snop  }
0x4: {  	_ = 	snop  }
0x5: {  	_ = 	snop  }
0x6: {  	_ = 	snop  }
0x7: {  	_ = 	snop  }
__scs_overlays_trampoline_lowered:
0x8: {  	[smem:$0x3FAE] =	sst s0  }
0x9: {  	[smem:$0x3FAF] =	sst s1  }
0xa: {  	[smem:$0x3FB0] =	sst s2  }
0xb: {  	[smem:$0x3FB1] =	sst s3  }
0xc: {  	[smem:$0x3FB2] =	sst s4  }
0xd: {  	[smem:$0x3FB3] =	sst s5  }
0xe: {  	[smem:$0x3FB4] =	sst s6  }
0xf: {  	[smem:$0x3FB5] =	sst s7  }
0x10: {  	[smem:$0x3FB6] =	sst s8  }
0x11: {  	[smem:$0x3FB7] =	sst s9;
	s0 =	simm.s32 @!p0 $0x0  }
0x12: {  	s1 =	sld [smem:$0x3F9D];
	s0 =	simm.s32 @p0 $0x1  }
0x13: {  	[smem:$0x3FB8] =	sst s0;
	s0 =	simm.s32 @!p1 $0x0  }
0x14: {  	s2 =	sld [smem:$0x3F9C];
	s0 =	simm.s32 @p1 $0x1  }
0x15: {  	[smem:$0x3FB9] =	sst s0;
	s0 =	simm.s32 @!p2 $0x0  }
0x16: {  	s3 =	sld [smem:$0x3FDB];
	s0 =	simm.s32 @p2 $0x1  }
0x17: {  	s4 =	simm.s32 $0x1BF5;
	[smem:$0x3FBB] =	sst s0  }
0x18: {  	s0 =	sld [smem:$0x3F9E];
	_ =	swait.ge [sflag:s4], $0x0  }
0x19: {  	s7 =	sld [smem:$0x3F9F]  }
0x1a: {  	s8 =	sadd.s32 $0xFFFFE003, lr  }
0x1b: {  	s9 =	sadd.s32 $0xFFFFFEF7, lr;
	s5 =	simm.s32 $0xFFFFFFFF;
	p2 =	slt.u32 s8, $0xFFFFF086  }
0x1c: {  	p1 =	slt.u32 s9, $0xF7A;
	s5 =	simm.s32 @!p2 $0x0  }
0x1d: {  	s5 =	simm.s32 @p1 $0x1;
	p0 =	seq.s32 s7, s2  }
0x1e: {  	s7 =	smul.u32 @!p0 $0xF7A, s2;
	p2 =	seq.s32 @!p0 s5, $0x0  }
0x1f: {  	s9 =	smul.u32 $0xF7A, s1;
	s8 =	simm.s32 @!p0 $0x1BF5;
	p2 =	por !p2, p0  }
0x20: {  	[sflag:s8] =	ssyncset.s32 @!p0 $0xFFFFF086;
	s6 =	sadd.s32 @!p0 s3, s7;
	s7 =	simm.s32 @!p0 $0x108  }
0x21: {  	s3 =	sadd.s32 s3, s9;
	s6 =	sadd.s32 @!p0 $0x88, s6;
	s7 =	simm.s32 @p2 $0x1082  }
0x22: {  	[simem:s7], [sflag:s8] =	dma.local @!p0 [hbm:s6], $0xF7A  }
0x23: {  	s9 =	sor.u32 $0xD0000000, s2;
	s6 =	simm.s32 $0x108;
	_ =	swait.ge @!p0 [sflag:s8], $0x0  }
0x24: {  	s3 =	sadd.s32 $0x88, s3;
	s6 =	simm.s32 @!p1 $0x1082;
	[sflag:s4] =	ssyncset.s32 $0xFFFFF086  }
0x25: {  	[simem:s6], [sflag:s4] =	dma.local [hbm:s3], $0xF7A  }
0x26: {  	[smem:$0x3F9F] =	sst s1;
	(tag) =	ssettag s2;
	_ =	strace s9  }
0x27: {  	s1 =	sld [smem:$0x3FAF]  }
0x28: {  	s2 =	sld [smem:$0x3FB0]  }
0x29: {  	s4 =	sld [smem:$0x3FB2]  }
0x2a: {  	p0 =	seq.s32 s5, $0x0;
	s5 =	sld [smem:$0x3FB3]  }
0x2b: {  	s6 =	sld [smem:$0x3FB4]  }
0x2c: {  	s7 =	sld [smem:$0x3FB5]  }
0x2d: {  	s3 =	simm.s32 $0x108;
	s8 =	sld [smem:$0x3FB6]  }
0x2e: {  	s3 =	simm.s32 @!p0 $0x1082;
	s9 =	sld [smem:$0x3FB7]  }
0x2f: {  	lr =	sadd.s32 s0, s3;
	s0 =	sld [smem:$0x3FAE]  }
0x30: {  	s3 =	sld [smem:$0x3FB1]  }
0x31: {  	[smem:$0x3FBA] =	sst s10  }
0x32: {  	s10 =	sld [smem:$0x3FB8];
	_ =	sdelay $0x3  }
0x33: {  	p0 =	seq.s32 s10, $0x1;
	s10 =	sld [smem:$0x3FBA];
	_ =	sdelay $0x3  }
0x34: {  	[smem:$0x3FBA] =	sst s10  }
0x35: {  	s10 =	sld [smem:$0x3FB9];
	_ =	sdelay $0x3  }
0x36: {  	p1 =	seq.s32 s10, $0x1;
	s10 =	sld [smem:$0x3FBA];
	_ =	sdelay $0x3  }
0x37: {  	[smem:$0x3FBA] =	sst s10  }
0x38: {  	s10 =	sld [smem:$0x3FBB]  }
0x39: {  	_ = 	snop;
	(pc) =	sbr.ind lr, $3  }
0x3a: {  	_ = 	snop  }
0x3b: {  	_ = 	snop  }
0x3c: {  	p2 =	seq.s32 s10, $0x1;
	s10 =	sld [smem:$0x3FBA]  }
0x3d: {  	_ =	shalt  }
0x3e: {  	_ =	shalt  }
0x3f: {  	_ =	shalt  }
0x40: {  	_ =	shalt  }
0x41: {  	_ =	shalt  }
0x42: {  	_ =	shalt  }
0x43: {  	_ =	shalt  }
0x44: {  	_ =	shalt  }
0x45: {  	_ =	shalt  }
0x46: {  	_ =	shalt  }
0x47: {  	_ =	shalt  }
0x48: {  	_ =	shalt  }
0x49: {  	_ =	shalt  }
0x4a: {  	_ =	shalt  }
0x4b: {  	_ =	shalt  }
0x4c: {  	_ =	shalt  }
0x4d: {  	_ =	shalt  }
0x4e: {  	_ =	shalt  }
0x4f: {  	_ =	shalt  }
0x50: {  	_ =	shalt  }
0x51: {  	_ =	shalt  }
0x52: {  	_ =	shalt  }
0x53: {  	_ =	shalt  }
0x54: {  	_ =	shalt  }
0x55: {  	_ =	shalt  }
0x56: {  	_ =	shalt  }
0x57: {  	_ =	shalt  }
0x58: {  	_ =	shalt  }
0x59: {  	_ =	shalt  }
0x5a: {  	_ =	shalt  }
0x5b: {  	_ =	shalt  }
0x5c: {  	_ =	shalt  }
0x5d: {  	_ =	shalt  }
0x5e: {  	_ =	shalt  }
0x5f: {  	_ =	shalt  }
0x60: {  	_ =	shalt  }
0x61: {  	_ =	shalt  }
0x62: {  	_ =	shalt  }
0x63: {  	_ =	shalt  }
0x64: {  	_ =	shalt  }
0x65: {  	_ =	shalt  }
0x66: {  	_ =	shalt  }
0x67: {  	_ =	shalt  }
0x68: {  	_ =	shalt  }
0x69: {  	_ =	shalt  }
0x6a: {  	_ =	shalt  }
0x6b: {  	_ =	shalt  }
0x6c: {  	_ =	shalt  }
0x6d: {  	_ =	shalt  }
0x6e: {  	_ =	shalt  }
0x6f: {  	_ =	shalt  }
0x70: {  	_ =	shalt  }
0x71: {  	_ =	shalt  }
0x72: {  	_ =	shalt  }
0x73: {  	_ =	shalt  }
0x74: {  	_ =	shalt  }
0x75: {  	_ =	shalt  }
0x76: {  	_ =	shalt  }
0x77: {  	_ =	shalt  }
0x78: {  	_ =	shalt  }
0x79: {  	_ =	shalt  }
0x7a: {  	_ =	shalt  }
0x7b: {  	_ =	shalt  }
0x7c: {  	_ =	shalt  }
0x7d: {  	_ =	shalt  }
0x7e: {  	_ =	shalt  }
0x7f: {  	_ =	shalt  }
0x80: {  	_ =	shalt  }
0x81: {  	_ =	shalt  }
0x82: {  	_ =	shalt  }
0x83: {  	_ =	shalt  }
0x84: {  	_ =	shalt  }
0x85: {  	_ =	shalt  }
0x86: {  	_ =	shalt  }
0x87: {  	_ =	shalt  }
.Lfunc_end0:
.L_simem_size_0:
called_computation_lowered:
.L_overlay_start_0:
0x88: {  	s0 =	sld [smem:$0x3FD9]  }
0x89: {  	s1 =	sld [smem:$0x3FFE];
	_ =	sdelay $0x3  }
0x8a: {  	s0 =	sadd.s32 s1, s0  }
0x8b: {  	[smem:$0x3FC6] =	sst s0  }
0x8c: {  	_ = 	snop  }
0x8d: {  	s0 =	sld [smem:$0x3FC9]  }
0x8e: {  	s17 =	sld [smem:$0x3FC8]  }
0x8f: {  	s2 =	sld [smem:$0x3FD0];
	(tm) =	ssettm $0x1  }
0x90: {  	s3 =	sld [smem:$0x3FFB];
	_ =	sdelay $0x3  }
0x91: {  	_ =	strace s3  }
0x92: {  	s3 =	sld [smem:$0x3FFC];
	_ =	sdelay $0x3  }
0x93: {  	_ =	strace s3  }
0x94: {  	s3 =	sld [smem:$0x3FFD];
	_ =	sdelay $0x3  }
0x95: {  	_ =	strace s3  }
0x96: {  	_ =	strace $0x8FFFFFFF  }
0x97: {  	s18 =	sld [smem:$0x3FDB];
	_ =	sdelay $0x1  }
0x98: {  	s4 =	simm.s32 $_scs_section_size  }
0x99: {  	s5 =	simm.s32 $_size__tile_overlayer_lowered;
	s6 =	simm.s32 $_tile_overlayer_lowered  }
0x9a: {  	s21 =	simm.s32 $0x1BFF;
	s20 =	sshll.u32 s6, $0x1;
	s3 =	sadd.s32 s4, s18  }
0x9b: {  	s7 =	simm.s32 $0x0;
	s19 =	sshll.u32 s5, $0x1;
	s5 =	sadd.s32 s20, s3  }
0x9c: {  	[timem:s7], [sflag:s21] =	dma.local [hbm:s5], s19  }
0x9d: {  	_ =	swait.ge [sflag:s21], s19  }
0x9e: {  	s4 =	ssub.s32 $0x0, s19;
	[sflag:s21] =	ssyncset.done $0x0  }
0x9f: {  	[sflag:s21] =	ssyncadd.s32 s4;
	_ =	sdelay $0x1  }
0xa0: {  	s22 =	simm.s32 $0x1B8B  }
0xa1: {  	_ =	swait.ge [sflag:s22], $0x1  }
0xa2: {  	[sflag:s22] =	ssyncset.done $0x0  }
0xa3: {  	s23 =	simm.s32 $0x1B8E;
	[sflag:s22] =	ssyncadd.s32 $0xFFFFFFFF  }
0xa4: {  	s24 =	simm.s32 $execute0_lowered;
	[smem:$0x3FD2] =	sst s23  }
0xa5: {  	s4 =	sshll.u32 s24, $0x1;
	_ =	strace $0x80000046;
	[dreg:$0x1] =	wrdreg $0xFFFFFFFF  }
0xa6: {  	s25 =	simm.s32 $_size_execute0_lowered;
	s3 =	sadd.s32 s3, s4;
	[dreg:$0x0] =	wrdreg $0x0  }
0xa7: {  	s4 =	sshll.u32 s25, $0x1;
	[dreg:$0x2] =	wrdreg s3  }
0xa8: {  	[dreg:$0x3] =	wrdreg s4  }
0xa9: {  	[dreg:$0x4] =	wrdreg $0xC0  }
0xaa: {  	_ =	task [dreg:s7], $0x5FFFF  }
0xab: {  	[dreg:$0x1] =	wrdreg $0xFFFFFFFF  }
0xac: {  	[dreg:$0x0] =	wrdreg $0x60  }
0xad: {  	[dreg:$0x2] =	wrdreg s0  }
0xae: {  	[dreg:$0x3] =	wrdreg s17  }
0xaf: {  	[dreg:$0x4] =	wrdreg s2  }
0xb0: {  	[dreg:$0x5] =	wrdreg $0x9  }
0xb1: {  	_ =	task.clear_ibuf [dreg:s7], $0x6FFFF;
	_ =	strace $0x90000046  }
0xb2: {  	s26 =	simm.s32 $0x9;
	_ =	strace $0x80000048  }
0xb3: {  	_ =	swait.ge [sflag:s26], $0x1  }
0xb4: {  	[sflag:s26] =	ssyncadd.s32 $0xFFFFFFFF  }
0xb5: {  	_ =	strace $0x90000048  }
0xb6: {  	_ =	sfence  }
0xb7: {  	s28 =	sld [smem:$0x0];
	_ =	sdelay $0x1  }
0xb8: {  	s29 =	srdreg.scid  }
0xb9: {  	s30 =	sshll.u32 s29, $0xD;
	s31 =	sshrl.u32 s29, $0x2  }
0xba: {  	s1 =	sand.u32 $0x1, s29;
	s2 =	sand.u32 $0x4000, s30;
	s0 =	sadd.s32 s31, s28  }
0xbb: {  	s1 =	sor.u32 s2, s1;
	s0 =	sshll.u32 s0, $0x11  }
0xbc: {  	s0 =	sor.u32 s0, s1  }
0xbd: {  	s0 =	sadd.s32 $0x8F2B, s0  }
0xbe: {  	[sflag:s0] =	ssyncadd.remote.s32 $0x1  }
0xbf: {  	_ =	sfence.sel $0xFFFF  }
0xc0: {  	[dreg:$0x0] =	wrdreg $0xFFFFFFFF;
	(pc) =	sbr.abs _section_cstart, $3  }
0xc1: {  	[dreg:$0x1] =	wrdreg $0xFFFFFFFF  }
0xc2: {  	_ =	task.clear_ibuf [dreg:s7], $0x2FFFF;
	_ =	strace $0x9FFFFFFF  }
0xc3: {  	(tm) =	ssettm $0x7FFFFFFF  }
tec
execute0_lowered:
.L_overlay_start_1:
0x0: {  	(tag) =	ssettag $0x1  }
0x1: {  	s3 =	rddreg [dreg:$0x0]  }
0x2: {  	s4 =	rddreg [dreg:$0x1]  }
0x3: {  	s2 =	rddreg [dreg:$0x2]  }
0x4: {  	s1 =	stileid.u32;
	s0 =	rddreg [dreg:$0x3];
	s6 =	simm.s32 $0x0  }
0x5: {  	s24 =	simm.s32 $0x100;
	s25 =	simm.s32 $0x400;
	s5 =	sshll.u32 s1, $0x5  }
0x6: {  	s7 =	sshll.u32 s1, $0x6;
	[smem:$0x7FF] =	sst s6;
	s5 =	sand.u32 $0x60, s5  }
0x7: {  	s7 =	sand.u32 $0x300, s7;
	_ =	strace $0x80000047;
	s3 =	sadd.s32 s3, s5  }
0x8: {  	[tilespmem:s6], [sflag:$0x1] =	stream.linear.gather [hbm4b:s4+s6], $0x2000, $0x38;
	[tilespmem:$0x6200] =	vst v63  }
0x9: {  	s26 =	simm.s32 $0x6000;
	s28 =	simm.s32 $0x3;
	s3 =	sadd.s32 s7, s3  }
0xa: {  	[tilespmem:s26], [sflag:$0x3] =	stream.strided.gather [hbm4b:s3+s24], $0x200, s25, s24, $0x38;
	[tilespmem:$0x6200] =	vst v63  }
0xb: {  	_ =	swait.ge [sflag:s28], $0x200  }
0xc: {  	[sflag:s28] =	ssyncset.done $0x0  }
0xd: {  	[sflag:s28] =	ssyncadd.s32 $0xFFFFFE00  }
0xe: {  	v1 =	vld [tilespmem:$0x6000]  }
0xf: {  	v2 =	vld [tilespmem:$0x6010]  }
0x10: {  	v3 =	vld [tilespmem:$0x6020]  }
0x11: {  	v4 =	vld [tilespmem:$0x6030]  }
0x12: {  	v5 =	vld [tilespmem:$0x6040]  }
0x13: {  	v6 =	vld [tilespmem:$0x6050]  }
0x14: {  	v7 =	vld [tilespmem:$0x6060]  }
0x15: {  	v8 =	vld [tilespmem:$0x6070]  }
0x16: {  	v9 =	vld [tilespmem:$0x6100]  }
0x17: {  	v10 =	vld [tilespmem:$0x6110]  }
0x18: {  	v11 =	vld [tilespmem:$0x6120]  }
0x19: {  	v12 =	vld [tilespmem:$0x6130]  }
0x1a: {  	v13 =	vld [tilespmem:$0x6140]  }
0x1b: {  	v14 =	vld [tilespmem:$0x6150]  }
0x1c: {  	v15 =	vld [tilespmem:$0x6160]  }
0x1d: {  	v16 =	vld [tilespmem:$0x6170]  }
0x1e: {  	v17 =	vld [tilespmem:$0x6080]  }
0x1f: {  	v18 =	vld [tilespmem:$0x6090]  }
0x20: {  	v19 =	vld [tilespmem:$0x60A0]  }
0x21: {  	v20 =	vld [tilespmem:$0x60B0]  }
0x22: {  	v21 =	vld [tilespmem:$0x60C0]  }
0x23: {  	v22 =	vld [tilespmem:$0x60D0]  }
0x24: {  	v23 =	vld [tilespmem:$0x60E0]  }
0x25: {  	v24 =	vld [tilespmem:$0x60F0]  }
0x26: {  	v25 =	vld [tilespmem:$0x6180]  }
0x27: {  	v26 =	vld [tilespmem:$0x6190]  }
0x28: {  	v31 =	vld [tilespmem:$0x61F0]  }
0x29: {  	v27 =	vld [tilespmem:$0x61A0]  }
0x2a: {  	v30 =	vld [tilespmem:$0x61B0]  }
0x2b: {  	s29 =	sand.u32 $0x1800, s6;
	s30 =	sand.u32 $0x380, s6;
	v28 =	vld [tilespmem:$0x61C0]  }
0x2c: {  	s3 =	sor.u32 s30, s29;
	v0 =	vld [tilespmem:$0x61D0]  }
0x2d: {  	v29 =	vld [tilespmem:$0x61E0];
	[tilespmem:s3+$0x4470] =	vst v31  }
0x2e: {  	[tilespmem:s3+$0x2000] =	vst v1  }
0x2f: {  	[tilespmem:s3+$0x2010] =	vst v2  }
0x30: {  	[tilespmem:s3+$0x2020] =	vst v3  }
0x31: {  	[tilespmem:s3+$0x2030] =	vst v4  }
0x32: {  	[tilespmem:s3+$0x2040] =	vst v5  }
0x33: {  	[tilespmem:s3+$0x2050] =	vst v6  }
0x34: {  	[tilespmem:s3+$0x2060] =	vst v7  }
0x35: {  	[tilespmem:s3+$0x2070] =	vst v8  }
0x36: {  	[tilespmem:s3+$0x2400] =	vst v9  }
0x37: {  	[tilespmem:s3+$0x2410] =	vst v10  }
0x38: {  	[tilespmem:s3+$0x2420] =	vst v11  }
0x39: {  	[tilespmem:s3+$0x2430] =	vst v12  }
0x3a: {  	[tilespmem:s3+$0x2440] =	vst v13  }
0x3b: {  	[tilespmem:s3+$0x2450] =	vst v14  }
0x3c: {  	[tilespmem:s3+$0x2460] =	vst v15  }
0x3d: {  	[tilespmem:s3+$0x2470] =	vst v16  }
0x3e: {  	[tilespmem:s3+$0x4000] =	vst v17  }
0x3f: {  	[tilespmem:s3+$0x4010] =	vst v18  }
0x40: {  	[tilespmem:s3+$0x4020] =	vst v19  }
0x41: {  	[tilespmem:s3+$0x4030] =	vst v20  }
0x42: {  	[tilespmem:s3+$0x4040] =	vst v21  }
0x43: {  	[tilespmem:s3+$0x4050] =	vst v22  }
0x44: {  	[tilespmem:s3+$0x4060] =	vst v23  }
0x45: {  	[tilespmem:s3+$0x4070] =	vst v24  }
0x46: {  	[tilespmem:s3+$0x4400] =	vst v25  }
0x47: {  	[tilespmem:s3+$0x4410] =	vst v26  }
0x48: {  	[tilespmem:s3+$0x4420] =	vst v27  }
0x49: {  	[tilespmem:s3+$0x4430] =	vst v30  }
0x4a: {  	s31 =	simm.s32 $0x100;
	s4 =	simm.s32 $0x80;
	[tilespmem:s3+$0x4440] =	vst v28  }
0x4b: {  	s6 =	sand.u32 $0x1800, s31;
	s5 =	simm.s32 $0x200;
	s7 =	sand.u32 $0x380, s4;
	[tilespmem:s3+$0x4450] =	vst v0  }
.LBB2_1:
0x4c: {  	p0 =	sne.s32 s5, $0x1F00;
	[tilespmem:s3+$0x4460] =	vst v29;
	s3 =	sor.u32 s7, s6  }
0x4d: {  	[tilespmem:s3+$0x4470] =	vst v31  }
0x4e: {  	[tilespmem:s3+$0x2000] =	vst v1  }
0x4f: {  	[tilespmem:s3+$0x2010] =	vst v2  }
0x50: {  	[tilespmem:s3+$0x2020] =	vst v3  }
0x51: {  	[tilespmem:s3+$0x2030] =	vst v4  }
0x52: {  	[tilespmem:s3+$0x2040] =	vst v5  }
0x53: {  	[tilespmem:s3+$0x2050] =	vst v6  }
0x54: {  	[tilespmem:s3+$0x2060] =	vst v7  }
0x55: {  	[tilespmem:s3+$0x2070] =	vst v8  }
0x56: {  	[tilespmem:s3+$0x2400] =	vst v9  }
0x57: {  	[tilespmem:s3+$0x2410] =	vst v10  }
0x58: {  	[tilespmem:s3+$0x2420] =	vst v11  }
0x59: {  	[tilespmem:s3+$0x2430] =	vst v12  }
0x5a: {  	[tilespmem:s3+$0x2440] =	vst v13  }
0x5b: {  	[tilespmem:s3+$0x2450] =	vst v14  }
0x5c: {  	[tilespmem:s3+$0x2460] =	vst v15  }
0x5d: {  	[tilespmem:s3+$0x2470] =	vst v16  }
0x5e: {  	[tilespmem:s3+$0x4000] =	vst v17  }
0x5f: {  	[tilespmem:s3+$0x4010] =	vst v18  }
0x60: {  	[tilespmem:s3+$0x4020] =	vst v19  }
0x61: {  	[tilespmem:s3+$0x4030] =	vst v20  }
0x62: {  	[tilespmem:s3+$0x4040] =	vst v21  }
0x63: {  	[tilespmem:s3+$0x4050] =	vst v22  }
0x64: {  	[tilespmem:s3+$0x4060] =	vst v23  }
0x65: {  	[tilespmem:s3+$0x4070] =	vst v24  }
0x66: {  	[tilespmem:s3+$0x4400] =	vst v25  }
.Ltmp0:
0x67: {  	[tilespmem:s3+$0x4410] =	vst v26;
	(pc) =	sbr.rel @p0 .LBB2_1-.Ltmp0, $4  }
0x68: {  	[tilespmem:s3+$0x4420] =	vst v27  }
0x69: {  	[tilespmem:s3+$0x4430] =	vst v30  }
0x6a: {  	s4 =	sadd.s32 $0x80, s4;
	[tilespmem:s3+$0x4440] =	vst v28  }
0x6b: {  	s6 =	sand.u32 $0x1800, s5;
	s5 =	sadd.s32 $0x100, s5;
	s7 =	sand.u32 $0x380, s4;
	[tilespmem:s3+$0x4450] =	vst v0  }
0x6c: {  	s4 =	sor.u32 s7, s6;
	[tilespmem:s3+$0x4460] =	vst v29  }
0x6d: {  	[tilespmem:s4+$0x4470] =	vst v31  }
0x6e: {  	[tilespmem:s4+$0x2000] =	vst v1  }
0x6f: {  	[tilespmem:s4+$0x2010] =	vst v2  }
0x70: {  	[tilespmem:s4+$0x2020] =	vst v3  }
0x71: {  	[tilespmem:s4+$0x2030] =	vst v4  }
0x72: {  	[tilespmem:s4+$0x2040] =	vst v5  }
0x73: {  	[tilespmem:s4+$0x2050] =	vst v6  }
0x74: {  	[tilespmem:s4+$0x2060] =	vst v7  }
0x75: {  	[tilespmem:s4+$0x2070] =	vst v8  }
0x76: {  	[tilespmem:s4+$0x2400] =	vst v9  }
0x77: {  	[tilespmem:s4+$0x2410] =	vst v10  }
0x78: {  	[tilespmem:s4+$0x2420] =	vst v11  }
0x79: {  	[tilespmem:s4+$0x2430] =	vst v12  }
0x7a: {  	[tilespmem:s4+$0x2440] =	vst v13  }
0x7b: {  	[tilespmem:s4+$0x2450] =	vst v14  }
0x7c: {  	[tilespmem:s4+$0x2460] =	vst v15  }
0x7d: {  	[tilespmem:s4+$0x2470] =	vst v16  }
0x7e: {  	[tilespmem:s4+$0x4000] =	vst v17  }
0x7f: {  	[tilespmem:s4+$0x4010] =	vst v18  }
0x80: {  	[tilespmem:s4+$0x4020] =	vst v19  }
0x81: {  	[tilespmem:s4+$0x4030] =	vst v20  }
0x82: {  	[tilespmem:s4+$0x4040] =	vst v21  }
0x83: {  	[tilespmem:s4+$0x4050] =	vst v22  }
0x84: {  	[tilespmem:s4+$0x4060] =	vst v23  }
0x85: {  	[tilespmem:s4+$0x4070] =	vst v24  }
0x86: {  	[tilespmem:s4+$0x4400] =	vst v25  }
0x87: {  	[tilespmem:s4+$0x4410] =	vst v26  }
0x88: {  	[tilespmem:s4+$0x4420] =	vst v27  }
0x89: {  	[tilespmem:s4+$0x4430] =	vst v30  }
0x8a: {  	s11 =	sshll.u32 s1, $0xC;
	[tilespmem:s4+$0x4440] =	vst v28  }
0x8b: {  	s12 =	simm.s32 $0x800;
	s2 =	sadd.s32 s2, s11;
	[tilespmem:s4+$0x4450] =	vst v0  }
0x8c: {  	s5 =	simm.s32 $0x1000;
	s13 =	simm.s32 $0x2000;
	[tilespmem:s4+$0x4460] =	vst v29;
	s3 =	sadd.s32 $0x100, s2  }
0x8d: {  	[hbm4b:s3+s12] =	stream.strided.scatter [tilespmem:s13], [sflag:$0x2], $0x2000, s5, s12, $0x38;
	[tilespmem:$0x6200] =	vst v63  }
0x8e: {  	s14 =	sadd.s32 $0x10100, s2  }
0x8f: {  	[hbm4b:s14+s12] =	stream.strided.scatter [tilespmem:s13], [sflag:$0x2], $0x2000, s5, s12, $0x38;
	[tilespmem:$0x6200] =	vst v63  }
0x90: {  	s15 =	sadd.s32 $0x20100, s2  }
0x91: {  	[hbm4b:s15+s12] =	stream.strided.scatter [tilespmem:s13], [sflag:$0x2], $0x2000, s5, s12, $0x38;
	[tilespmem:$0x6200] =	vst v63  }
0x92: {  	s16 =	sadd.s32 $0x30100, s2  }
0x93: {  	[hbm4b:s16+s12] =	stream.strided.scatter [tilespmem:s13], [sflag:$0x2], $0x2000, s5, s12, $0x38;
	[tilespmem:$0x6200] =	vst v63  }
0x94: {  	s18 =	simm.s32 $0x4000;
	s17 =	sadd.s32 $0x900, s2  }
0x95: {  	[hbm4b:s17+s12] =	stream.strided.scatter [tilespmem:s18], [sflag:$0x2], $0x2000, s5, s12, $0x38;
	[tilespmem:$0x6200] =	vst v63  }
0x96: {  	s19 =	sadd.s32 $0x10900, s2  }
0x97: {  	[hbm4b:s19+s12] =	stream.strided.scatter [tilespmem:s18], [sflag:$0x2], $0x2000, s5, s12, $0x38;
	[tilespmem:$0x6200] =	vst v63  }
0x98: {  	s20 =	sadd.s32 $0x20900, s2  }
0x99: {  	[hbm4b:s20+s12] =	stream.strided.scatter [tilespmem:s18], [sflag:$0x2], $0x2000, s5, s12, $0x38;
	[tilespmem:$0x6200] =	vst v63  }
0x9a: {  	s22 =	simm.s32 $0x1;
	s21 =	sadd.s32 $0x30900, s2  }
0x9b: {  	[hbm4b:s21+s12] =	stream.strided.scatter [tilespmem:s18], [sflag:$0x2], $0x2000, s5, s12, $0x38;
	[tilespmem:$0x6200] =	vst v63  }
0x9c: {  	_ =	swait.ge [sflag:s22], $0x2000  }
0x9d: {  	[sflag:s22] =	ssyncset.done $0x0  }
0x9e: {  	s23 =	simm.s32 $0x0;
	[sflag:s22] =	ssyncadd.s32 $0xFFFFE000  }
0x9f: {  	[hbm4b:s2+s12] =	stream.strided.scatter [tilespmem:s23], [sflag:$0x2], $0x2000, s5, s12, $0x38;
	[tilespmem:$0x6200] =	vst v63  }
0xa0: {  	s24 =	sadd.s32 $0x10000, s2  }
0xa1: {  	[hbm4b:s24+s12] =	stream.strided.scatter [tilespmem:s23], [sflag:$0x2], $0x2000, s5, s12, $0x38;
	[tilespmem:$0x6200] =	vst v63  }
0xa2: {  	s25 =	sadd.s32 $0x20000, s2  }
0xa3: {  	[hbm4b:s25+s12] =	stream.strided.scatter [tilespmem:s23], [sflag:$0x2], $0x2000, s5, s12, $0x38;
	[tilespmem:$0x6200] =	vst v63  }
0xa4: {  	s26 =	sadd.s32 $0x30000, s2  }
0xa5: {  	[hbm4b:s26+s12] =	stream.strided.scatter [tilespmem:s23], [sflag:$0x2], $0x2000, s5, s12, $0x38;
	[tilespmem:$0x6200] =	vst v63  }
0xa6: {  	s28 =	sadd.s32 $0x800, s2  }
0xa7: {  	[hbm4b:s28+s12] =	stream.strided.scatter [tilespmem:s23], [sflag:$0x2], $0x2000, s5, s12, $0x38;
	[tilespmem:$0x6200] =	vst v63  }
0xa8: {  	s29 =	sadd.s32 $0x10800, s2  }
0xa9: {  	[hbm4b:s29+s12] =	stream.strided.scatter [tilespmem:s23], [sflag:$0x2], $0x2000, s5, s12, $0x38;
	[tilespmem:$0x6200] =	vst v63  }
0xaa: {  	s30 =	sadd.s32 $0x20800, s2  }
0xab: {  	[hbm4b:s30+s12] =	stream.strided.scatter [tilespmem:s23], [sflag:$0x2], $0x2000, s5, s12, $0x38;
	[tilespmem:$0x6200] =	vst v63  }
0xac: {  	s31 =	simm.s32 $0x2;
	s2 =	sadd.s32 $0x30800, s2  }
0xad: {  	[hbm4b:s2+s12] =	stream.strided.scatter [tilespmem:s23], [sflag:$0x2], $0x2000, s5, s12, $0x38;
	[tilespmem:$0x6200] =	vst v63  }
0xae: {  	_ =	swait.ge [sflag:s31], $0x2000  }
0xaf: {  	[sflag:s31] =	ssyncset.done $0x0  }
0xb0: {  	[sflag:s31] =	ssyncadd.s32 $0xFFFFE000  }
0xb1: {  	_ =	swait.ge [sflag:s31], $0x2000  }
0xb2: {  	[sflag:s31] =	ssyncset.done $0x0  }
0xb3: {  	[sflag:s31] =	ssyncadd.s32 $0xFFFFE000  }
0xb4: {  	_ =	swait.ge [sflag:s31], $0x2000  }
0xb5: {  	[sflag:s31] =	ssyncset.done $0x0  }
0xb6: {  	[sflag:s31] =	ssyncadd.s32 $0xFFFFE000  }
0xb7: {  	_ =	swait.ge [sflag:s31], $0x2000  }
0xb8: {  	[sflag:s31] =	ssyncset.done $0x0  }
0xb9: {  	[sflag:s31] =	ssyncadd.s32 $0xFFFFE000  }
0xba: {  	_ =	swait.ge [sflag:s31], $0x2000  }
0xbb: {  	[sflag:s31] =	ssyncset.done $0x0  }
0xbc: {  	[sflag:s31] =	ssyncadd.s32 $0xFFFFE000  }
0xbd: {  	_ =	swait.ge [sflag:s31], $0x2000  }
0xbe: {  	[sflag:s31] =	ssyncset.done $0x0  }
0xbf: {  	[sflag:s31] =	ssyncadd.s32 $0xFFFFE000  }
0xc0: {  	_ =	swait.ge [sflag:s31], $0x2000  }
0xc1: {  	[sflag:s31] =	ssyncset.done $0x0  }
0xc2: {  	[sflag:s31] =	ssyncadd.s32 $0xFFFFE000  }
0xc3: {  	_ =	swait.ge [sflag:s31], $0x2000  }
0xc4: {  	[sflag:s31] =	ssyncset.done $0x0  }
0xc5: {  	[sflag:s31] =	ssyncadd.s32 $0xFFFFE000  }
0xc6: {  	_ =	swait.ge [sflag:s31], $0x2000  }
0xc7: {  	[sflag:s31] =	ssyncset.done $0x0  }
0xc8: {  	[sflag:s31] =	ssyncadd.s32 $0xFFFFE000  }
0xc9: {  	_ =	swait.ge [sflag:s31], $0x2000  }
0xca: {  	[sflag:s31] =	ssyncset.done $0x0  }
0xcb: {  	[sflag:s31] =	ssyncadd.s32 $0xFFFFE000  }
0xcc: {  	_ =	swait.ge [sflag:s31], $0x2000  }
0xcd: {  	[sflag:s31] =	ssyncset.done $0x0  }
0xce: {  	[sflag:s31] =	ssyncadd.s32 $0xFFFFE000  }
0xcf: {  	_ =	swait.ge [sflag:s31], $0x2000  }
0xd0: {  	[sflag:s31] =	ssyncset.done $0x0  }
0xd1: {  	[sflag:s31] =	ssyncadd.s32 $0xFFFFE000  }
0xd2: {  	_ =	swait.ge [sflag:s31], $0x2000  }
0xd3: {  	[sflag:s31] =	ssyncset.done $0x0  }
0xd4: {  	[sflag:s31] =	ssyncadd.s32 $0xFFFFE000  }
0xd5: {  	_ =	swait.ge [sflag:s31], $0x2000  }
0xd6: {  	[sflag:s31] =	ssyncset.done $0x0  }
0xd7: {  	[sflag:s31] =	ssyncadd.s32 $0xFFFFE000  }
0xd8: {  	_ =	swait.ge [sflag:s31], $0x2000  }
0xd9: {  	[sflag:s31] =	ssyncset.done $0x0  }
0xda: {  	[sflag:s31] =	ssyncadd.s32 $0xFFFFE000  }
0xdb: {  	_ =	swait.ge [sflag:s31], $0x2000  }
0xdc: {  	[sflag:s31] =	ssyncset.done $0x0  }
0xdd: {  	[sflag:s31] =	ssyncadd.s32 $0xFFFFE000  }
0xde: {  	_ =	sfence.sel $0x180000  }
0xdf: {  	[bflag:$0x0] =	sbarrier.arrive $0xFFFF  }
0xe0: {  	p0 =	sne.s32 s1, $0x0;
	_ =	strace $0x90000047  }
0xe1: {  	s0 =	sadd.s32 @!p0 $0x100000, s0;
	[bflag:$0x2] =	sbarrier.arrive $0xFFFF  }
0xe2: {  	[sflag:s0] =	ssyncadd.tile.s32 @!p0 $0x1;
	_ =	shalt  }
.Lfunc_end2:
_tile_overlayer_lowered:
.L_overlay_start_2:
0xe3: {  	(tag) =	ssettag $0x2  }
0xe4: {  	s0 =	rddreg [dreg:$0x0];
	s2 =	stileid.u32  }
0xe5: {  	s1 =	rddreg [dreg:$0x1];
	p0 =	sne.s32 s2, $0x0  }
0xe6: {  	s3 =	rddreg [dreg:$0x2];
	[bflag:$0x3] =	sbarrier.arrive $0xFFFF;
	s2 =	simm.s32 @!p0 $0x1C03  }
0xe7: {  	[timem:s3], [sflag:s2] =	dma.local @!p0 [hbm:s0], s1  }
0xe8: {  	s0 =	simm.s32 @!p0 $0x3  }
0xe9: {  	_ =	swait.ge @!p0 [sflag:s0], s1  }
0xea: {  	s1 =	ssub.s32 @!p0 $0x0, s1;
	[sflag:s0] =	ssyncset.done @!p0 $0x0  }
0xeb: {  	[sflag:s0] =	ssyncadd.s32 @!p0 s1  }
0xec: {  	[bflag:$0x3] =	sbarrier.arrive $0xFFFF  }
0xed: {  	_ =	shalt  }

</sc_bundles>
